<compile_context>
chip_gen: v7x
topology: tpu7x:2x2x1
jax: 0.10.2.dev20260603
libtpu: 0.0.44.dev20260713+nightly
codegen_flags: <defaults>
</compile_context>

<pallas_src>
import functools

import jax
import jax.numpy as jnp
from jax import lax
from jax.experimental import pallas as pl
from jax.experimental.pallas import tpu as pltpu
from jax.experimental.pallas import tpu_sc as plsc

C = 512
H = 64
CW = 528
NC = 2
NS = 16
NW = NC * NS
NSTAT = 10

_BD = 128
_NT = C // _BD



def _sc_stats_kernel(chunk, groups):
    mesh = plsc.VectorSubcoreMesh(core_axis_name="c", subcore_axis_name="s")

    @functools.partial(
        pl.kernel,
        out_type=jax.ShapeDtypeStruct((NSTAT, NW, 16 * CW), jnp.float32),
        mesh=mesh,
        scratch_types=[
            pltpu.VMEM((chunk,), jnp.int32),
            pltpu.VMEM((chunk,), jnp.float32),
            pltpu.VMEM((chunk,), jnp.float32),
            pltpu.VMEM((chunk,), jnp.float32),
            pltpu.VMEM((chunk,), jnp.float32),
        ] + [pltpu.VMEM((16 * CW,), jnp.float32) for _ in range(NSTAT)],
        compiler_params=pltpu.CompilerParams(needs_layout_passes=False),
    )
    def body(x_hbm, y_hbm, z_hbm, v_hbm, ids_hbm, out_hbm,
             idsv, xv, yv, zv, vv, *accs):
        wid = lax.axis_index("s") * NC + lax.axis_index("c")
        base = wid * chunk
        pltpu.sync_copy(ids_hbm.at[pl.ds(base, chunk)], idsv)
        pltpu.sync_copy(x_hbm.at[pl.ds(base, chunk)], xv)
        pltpu.sync_copy(y_hbm.at[pl.ds(base, chunk)], yv)
        pltpu.sync_copy(z_hbm.at[pl.ds(base, chunk)], zv)
        pltpu.sync_copy(v_hbm.at[pl.ds(base, chunk)], vv)

        zero16 = jnp.zeros((16,), jnp.float32)
        ninf16 = jnp.full((16,), -jnp.inf, jnp.float32)
        pinf16 = jnp.full((16,), jnp.inf, jnp.float32)

        def init_body(i, _):
            for k in range(8):
                accs[k][pl.ds(i * 16, 16)] = zero16
            accs[8][pl.ds(i * 16, 16)] = ninf16
            accs[9][pl.ds(i * 16, 16)] = pinf16
            return 0

        lax.fori_loop(0, CW, init_body, 0)

        lanebase = lax.iota(jnp.int32, 16) * CW
        one16 = jnp.ones((16,), jnp.float32)

        def group_body(g, _):
            idv = idsv[pl.ds(g * 16, 16)]
            idxs = [lanebase + idv]
            x16 = xv[pl.ds(g * 16, 16)]
            y16 = yv[pl.ds(g * 16, 16)]
            z16 = zv[pl.ds(g * 16, 16)]
            v16 = vv[pl.ds(g * 16, 16)]
            plsc.addupdate_scatter(accs[0], idxs, one16)
            plsc.addupdate_scatter(accs[1], idxs, x16)
            plsc.addupdate_scatter(accs[2], idxs, y16)
            plsc.addupdate_scatter(accs[3], idxs, z16)
            plsc.addupdate_scatter(accs[4], idxs, x16 * x16)
            plsc.addupdate_scatter(accs[5], idxs, y16 * y16)
            plsc.addupdate_scatter(accs[6], idxs, z16 * z16)
            plsc.addupdate_scatter(accs[7], idxs, v16)
            cmax = plsc.load_gather(accs[8], idxs)
            plsc.store_scatter(accs[8], idxs, jnp.maximum(cmax, v16))
            cmin = plsc.load_gather(accs[9], idxs)
            plsc.store_scatter(accs[9], idxs, jnp.minimum(cmin, v16))
            return 0

        lax.fori_loop(0, groups, group_body, 0)

        for k in range(NSTAT):
            pltpu.sync_copy(accs[k], out_hbm.at[k, wid])

    return body



def _t1_body(p_ref, out_ref):
    cnt = jnp.sum(p_ref[0], axis=0)
    sx = jnp.sum(p_ref[1], axis=0)
    sy = jnp.sum(p_ref[2], axis=0)
    sz = jnp.sum(p_ref[3], axis=0)
    sxx = jnp.sum(p_ref[4], axis=0)
    syy = jnp.sum(p_ref[5], axis=0)
    szz = jnp.sum(p_ref[6], axis=0)
    sv = jnp.sum(p_ref[7], axis=0)
    vmax = jnp.max(p_ref[8], axis=0)
    vmin = jnp.min(p_ref[9], axis=0)

    denom = jnp.maximum(cnt, 1.0)
    inv = 1.0 / denom
    cx = sx * inv
    cy = sy * inv
    cz = sz * inv
    vx = (sxx - 2.0 * cx * sx + cnt * cx * cx) * inv
    vy = (syy - 2.0 * cy * sy + cnt * cy * cy) * inv
    vz = (szz - 2.0 * cz * sz + cnt * cz * cz) * inv
    mval = sv * inv
    lc = jnp.log1p(cnt)
    out_ref[...] = jnp.stack(
        [cx, cy, cz, vx, vy, vz, mval, lc, vmax, vmin], axis=0)


def _t1(partials):
    return pl.pallas_call(
        _t1_body,
        out_shape=jax.ShapeDtypeStruct((NSTAT, CW), jnp.float32),
    )(partials)


def _enc_body(f_ref, w_ref, o_ref):
    o_ref[...] = jax.nn.relu(
        jnp.dot(w_ref[...], f_ref[...], preferred_element_type=jnp.float32))


def _enc(feats_t, wnenc_t):
    return pl.pallas_call(
        _enc_body,
        out_shape=jax.ShapeDtypeStruct((H, C), jnp.float32),
    )(feats_t, wnenc_t)



def _round_body(xt_ref, xdt_ref, ct8_ref, cdt8_ref, cd8_ref, w3t_ref,
                w4t_ref, wmat_ref, wmbt_ref, wmct_ref, wuat_ref, wubt_ref,
                o_ref):
    xt = xt_ref[...]
    xdt = xdt_ref[...]
    ct8 = ct8_ref[...]
    cdt8 = cdt8_ref[...]
    cd8 = cd8_ref[...]

    at = jnp.dot(wmat_ref[...], xt, preferred_element_type=jnp.float32)
    bdt = jnp.dot(wmbt_ref[...], xdt, preferred_element_type=jnp.float32)
    adt = jnp.dot(wmat_ref[...], xdt, preferred_element_type=jnp.float32)

    gx = cd8[:, 0:1] - ct8[0:1, :]
    gy = cd8[:, 1:2] - ct8[1:2, :]
    gz = cd8[:, 2:3] - ct8[2:3, :]
    dist = jnp.sqrt(gx * gx + gy * gy + gz * gz)

    p_full = jnp.dot(w3t_ref[...], ct8, preferred_element_type=jnp.float32)
    pd_cols = jnp.dot(w3t_ref[...], cdt8,
                      preferred_element_type=jnp.float32)

    e = jax.nn.relu(
        pd_cols.reshape(H, _BD, 1) - p_full.reshape(H, 1, C)
        + dist.reshape(1, _BD, C) * w4t_ref[...].reshape(H, 1, 1))
    ec = jnp.dot(wmct_ref[...], e.reshape(H, _BD * C),
                 preferred_element_type=jnp.float32).reshape(H, _BD, C)
    msg = jax.nn.relu(ec + at.reshape(H, 1, C) + bdt.reshape(H, _BD, 1))
    agg = jnp.sum(msg, axis=2) - jax.nn.relu(adt + bdt)

    xn = jax.nn.relu(
        jnp.dot(wuat_ref[...], xdt, preferred_element_type=jnp.float32)
        + jnp.dot(wubt_ref[...], agg, preferred_element_type=jnp.float32))
    o_ref[...] = xn


def _round(x_t, cent_t8, cent8, w3t, w4t, wmat, wmbt, wmct, wuat, wubt):
    full = lambda s: pl.BlockSpec(s, lambda i: (0, 0))
    return pl.pallas_call(
        _round_body,
        grid=(_NT,),
        in_specs=[
            full((H, C)),
            pl.BlockSpec((H, _BD), lambda i: (0, i)),
            full((8, C)),
            pl.BlockSpec((8, _BD), lambda i: (0, i)),
            pl.BlockSpec((_BD, 8), lambda i: (i, 0)),
            full((H, 8)),
            full((H, 1)),
            full((H, H)),
            full((H, H)),
            full((H, H)),
            full((H, H)),
            full((H, H)),
        ],
        out_specs=pl.BlockSpec((H, _BD), lambda i: (0, i)),
        out_shape=jax.ShapeDtypeStruct((H, C), jnp.float32),
    )(x_t, x_t, cent_t8, cent_t8, cent8, w3t, w4t, wmat, wmbt, wmct,
      wuat, wubt)



def _final_body(xt_ref, xst_ref, xs_ref, ct8_ref, cst8_ref, cs8_ref,
                w3t_ref, w4t_ref, we1at_ref, we1bt_ref, we1ct_ref, we2t_ref,
                wnpt_ref, wnp_ref, np_ref, ep_ref):
    xt = xt_ref[...]
    xst = xst_ref[...]
    xs = xs_ref[...]
    ct8 = ct8_ref[...]
    cst8 = cst8_ref[...]
    cs8 = cs8_ref[...]

    b1t = jnp.dot(we1bt_ref[...], xt, preferred_element_type=jnp.float32)
    a1st = jnp.dot(we1at_ref[...], xst, preferred_element_type=jnp.float32)

    npt = jnp.dot(wnpt_ref[...], xt, preferred_element_type=jnp.float32)
    np_ref[...] = npt
    prim1 = npt[1:2, :] > npt[0:1, :]
    prim0 = jnp.logical_not(prim1)

    nps = jnp.dot(xs, wnp_ref[...], preferred_element_type=jnp.float32)
    prim1s = nps[:, 1:2] > nps[:, 0:1]

    p_full = jnp.dot(w3t_ref[...], ct8, preferred_element_type=jnp.float32)
    ps_cols = jnp.dot(w3t_ref[...], cst8,
                      preferred_element_type=jnp.float32)

    gx = cs8[:, 0:1] - ct8[0:1, :]
    gy = cs8[:, 1:2] - ct8[1:2, :]
    gz = cs8[:, 2:3] - ct8[2:3, :]
    dist = jnp.sqrt(gx * gx + gy * gy + gz * gz)

    e = jax.nn.relu(
        p_full.reshape(H, 1, C) - ps_cols.reshape(H, _BD, 1)
        + dist.reshape(1, _BD, C) * w4t_ref[...].reshape(H, 1, 1))
    hc = jnp.dot(we1ct_ref[...], e.reshape(H, _BD * C),
                 preferred_element_type=jnp.float32).reshape(H, _BD, C)
    h = jax.nn.relu(hc + a1st.reshape(H, _BD, 1) + b1t.reshape(H, 1, C))
    ept = jnp.dot(we2t_ref[...], h.reshape(H, _BD * C),
                  preferred_element_type=jnp.float32).reshape(8, _BD, C)

    mask = jnp.logical_and(prim1s.reshape(1, _BD, 1),
                           prim0.reshape(1, 1, C)).astype(jnp.float32)
    ep_ref[...] = (ept * mask).reshape(8, _BD * C)


def _final(x_t, x, cent_t8, cent8, w3t, w4t, we1at, we1bt, we1ct, we2t,
           wnpt, wnpp):
    full = lambda s: pl.BlockSpec(s, lambda j: (0, 0))
    return pl.pallas_call(
        _final_body,
        grid=(_NT,),
        in_specs=[
            full((H, C)),
            pl.BlockSpec((H, _BD), lambda j: (0, j)),
            pl.BlockSpec((_BD, H), lambda j: (j, 0)),
            full((8, C)),
            pl.BlockSpec((8, _BD), lambda j: (0, j)),
            pl.BlockSpec((_BD, 8), lambda j: (j, 0)),
            full((H, 8)),
            full((H, 1)),
            full((H, H)),
            full((H, H)),
            full((H, H)),
            full((8, H)),
            full((8, H)),
            full((H, 8)),
        ],
        out_specs=[
            pl.BlockSpec((8, C), lambda j: (0, 0)),
            pl.BlockSpec((8, _BD * C), lambda j: (0, j)),
        ],
        out_shape=[
            jax.ShapeDtypeStruct((8, C), jnp.float32),
            jax.ShapeDtypeStruct((8, C * C), jnp.float32),
        ],
    )(x_t, x_t, x, cent_t8, cent_t8, cent8, w3t, w4t, we1at, we1bt, we1ct,
      we2t, wnpt, wnpp)



def kernel(data, edge_index, W_nenc, W_eenc, W_msg1, W_upd1, W_msg2, W_upd2,
           W_npred, W_e1, W_e2):
    n = data.shape[0]
    chunk = ((n + NW - 1) // NW + 15) // 16 * 16
    n_pad = chunk * NW
    groups = chunk // 16

    ids = data[:, 5].astype(jnp.int32)
    ids_p = jnp.concatenate(
        [ids, jnp.full((n_pad - n,), C, jnp.int32)])
    zpad = jnp.zeros((n_pad - n,), jnp.float32)
    xc = jnp.concatenate([data[:, 0], zpad])
    yc = jnp.concatenate([data[:, 1], zpad])
    zc = jnp.concatenate([data[:, 2], zpad])
    vc = jnp.concatenate([data[:, 4], zpad])

    partials = _sc_stats_kernel(chunk, groups)(xc, yc, zc, vc, ids_p)
    partials = partials.reshape(NSTAT, NW * 16, CW)

    stats = _t1(partials)

    feats_t = jnp.concatenate(
        [stats[:, :C], jnp.zeros((6, C), jnp.float32)], axis=0)
    cent_t8 = jnp.concatenate(
        [stats[:3, :C], jnp.zeros((5, C), jnp.float32)], axis=0)
    cent8 = cent_t8.T
    wnenc_t = jnp.concatenate(
        [W_nenc.T, jnp.zeros((H, 6), jnp.float32)], axis=1)

    x0_t = _enc(feats_t, wnenc_t)

    w3t = jnp.concatenate(
        [W_eenc[:3].T, jnp.zeros((H, 5), jnp.float32)], axis=1)
    w4t = W_eenc[3:4].T

    tw = lambda w: w.T

    x1_t = _round(x0_t, cent_t8, cent8, w3t, w4t,
                  tw(W_msg1[:H]), tw(W_msg1[H:2 * H]), tw(W_msg1[2 * H:]),
                  tw(W_upd1[:H]), tw(W_upd1[H:]))
    x2_t = _round(x1_t, cent_t8, cent8, w3t, w4t,
                  tw(W_msg2[:H]), tw(W_msg2[H:2 * H]), tw(W_msg2[2 * H:]),
                  tw(W_upd2[:H]), tw(W_upd2[H:]))

    we2t = jnp.concatenate(
        [W_e2.T, jnp.zeros((6, H), jnp.float32)], axis=0)
    wnpt = jnp.concatenate(
        [W_npred.T, jnp.zeros((6, H), jnp.float32)], axis=0)
    wnpp = jnp.concatenate(
        [W_npred, jnp.zeros((H, 6), jnp.float32)], axis=1)

    npt, ept = _final(x2_t, x2_t.T, cent_t8, cent8, w3t, w4t,
                      tw(W_e1[:H]), tw(W_e1[H:2 * H]), tw(W_e1[2 * H:]),
                      we2t, wnpt, wnpp)

    node_pred = npt[:2].T
    ep2 = ept[:2].T
    edge_pred = (ep2[1:]
                 .reshape(C - 1, C + 1, 2)[:, :C, :]
                 .reshape(C * (C - 1), 2))
    return node_pred, edge_pred

# --- scband reference (transcript-rebuilt; emitter-appended) ---
"""Pipeline reference for scband-clust-bipartite-gnn-34359738368710 (READ-ONLY COPY).

The authoritative reference and input builder live on the scoring server;
editing this copy changes nothing except your own understanding.
"""

import jax, jax.numpy as jnp
import numpy as np

N = 100000
C = 512
H = 64

def _complete_graph(n):
    src = np.repeat(np.arange(n), n)
    dst = np.tile(np.arange(n), n)
    m = src != dst
    return np.stack([src[m], dst[m]], axis=0).astype(np.int32)

def setup_inputs(seed: int = 0):
    key = jax.random.key(seed)
    ks = jax.random.split(key, 16)
    coords = jax.random.normal(ks[0], (N, 3), dtype=jnp.float32) * 100.0
    batch = jnp.zeros((N, 1), dtype=jnp.float32)
    value = jax.random.uniform(ks[1], (N, 1), dtype=jnp.float32)
    cid = jnp.sort(jax.random.randint(ks[2], (N,), 0, C)).astype(jnp.float32)[:, None]
    data = jnp.concatenate([coords, batch, value, cid], axis=1)
    edge_index = jnp.asarray(_complete_graph(C))
    def w(k, a, b):
        return jax.random.normal(k, (a, b), dtype=jnp.float32) * (1.0 / np.sqrt(a))
    params = dict(
        W_nenc=w(ks[3], 10, H),
        W_eenc=w(ks[4], 4, H),
        W_msg1=w(ks[5], 3 * H, H),
        W_upd1=w(ks[6], 2 * H, H),
        W_msg2=w(ks[7], 3 * H, H),
        W_upd2=w(ks[8], 2 * H, H),
        W_npred=w(ks[9], H, 2),
        W_e1=w(ks[10], 3 * H, H),
        W_e2=w(ks[11], H, 2),
    )
    return dict(data=data, edge_index=edge_index, **params)

def _forward(data, W_nenc, W_eenc, W_msg1, W_upd1, W_msg2, W_upd2, W_npred, W_e1, W_e2, edge_index):
    # node encoder: per-cluster geometric features via segment reductions over voxels
    ids = jax.lax.stop_gradient(data[:, 5]).astype(jnp.int32)
    pos = data[:, :3]
    val = data[:, 4]
    ones = jnp.ones((data.shape[0],), dtype=jnp.float32)
    counts = jax.ops.segment_sum(ones, ids, C)
    denom = jnp.maximum(counts, 1.0)
    cent = jax.ops.segment_sum(pos, ids, C) / denom[:, None]
    mval = jax.ops.segment_sum(val, ids, C) / denom
    diff = pos - cent[ids]
    var = jax.ops.segment_sum(diff * diff, ids, C) / denom[:, None]
    vmax = jax.ops.segment_max(val, ids, C)
    vmin = -jax.ops.segment_max(-val, ids, C)
    feats = jnp.concatenate([cent, var, mval[:, None], jnp.log1p(counts)[:, None], vmax[:, None], vmin[:, None]], axis=1)
    x = jax.nn.relu(feats @ W_nenc)
    # edge encoder: centroid displacement features on complete graph
    src = edge_index[0]
    dst = edge_index[1]
    d = cent[dst] - cent[src]
    dist = jnp.linalg.norm(d, axis=1, keepdims=True)
    e = jax.nn.relu(jnp.concatenate([d, dist], axis=1) @ W_eenc)
    # node predictor: two rounds of message passing (gather -> MLP -> scatter-add)
    def mp(x, Wm, Wu):
        m = jax.nn.relu(jnp.concatenate([x[src], x[dst], e], axis=1) @ Wm)
        agg = jax.ops.segment_sum(m, dst, C)
        return jax.nn.relu(jnp.concatenate([x, agg], axis=1) @ Wu)
    x = mp(x, W_msg1, W_upd1)
    x = mp(x, W_msg2, W_upd2)
    node_pred = x @ W_npred
    # bipartite graph: primaries (argmax==1) -> secondaries, realized as a static mask
    prim = jnp.argmax(node_pred, axis=1)
    mask = jax.lax.stop_gradient(((prim[src] == 1) & (prim[dst] == 0)).astype(jnp.float32))
    # edge predictor on bipartite edges
    ep = jax.nn.relu(jnp.concatenate([x[src], x[dst], e], axis=1) @ W_e1) @ W_e2
    edge_pred = ep * mask[:, None]
    return node_pred, edge_pred

def reference(data, edge_index, W_nenc, W_eenc, W_msg1, W_upd1, W_msg2, W_upd2, W_npred, W_e1, W_e2):
    return _forward(data, W_nenc, W_eenc, W_msg1, W_upd1, W_msg2, W_upd2, W_npred, W_e1, W_e2, edge_index)

if __name__ == "__main__":
    import jax
    _d = setup_inputs()
    print(jax.jit(kernel)(*tuple(_d.values())))

</pallas_src>

<mosaic_0001>
#map = affine_map<(d0, d1) -> (0)>
#map1 = affine_map<(d0, d1) -> (0, 0, 0)>
module attributes {stable_mosaic.version = 14 : i64} {
  func.func @body(%arg0: i32, %arg1: i32, %arg2: memref<100352xf32, #tpu.memory_space<hbm>>, %arg3: memref<100352xf32, #tpu.memory_space<hbm>>, %arg4: memref<100352xf32, #tpu.memory_space<hbm>>, %arg5: memref<100352xf32, #tpu.memory_space<hbm>>, %arg6: memref<100352xi32, #tpu.memory_space<hbm>>, %arg7: memref<10x32x8448xf32, #tpu.memory_space<hbm>>, %arg8: memref<3136xi32, #tpu.memory_space<vmem>>, %arg9: memref<3136xf32, #tpu.memory_space<vmem>>, %arg10: memref<3136xf32, #tpu.memory_space<vmem>>, %arg11: memref<3136xf32, #tpu.memory_space<vmem>>, %arg12: memref<3136xf32, #tpu.memory_space<vmem>>, %arg13: memref<8448xf32, #tpu.memory_space<vmem>>, %arg14: memref<8448xf32, #tpu.memory_space<vmem>>, %arg15: memref<8448xf32, #tpu.memory_space<vmem>>, %arg16: memref<8448xf32, #tpu.memory_space<vmem>>, %arg17: memref<8448xf32, #tpu.memory_space<vmem>>, %arg18: memref<8448xf32, #tpu.memory_space<vmem>>, %arg19: memref<8448xf32, #tpu.memory_space<vmem>>, %arg20: memref<8448xf32, #tpu.memory_space<vmem>>, %arg21: memref<8448xf32, #tpu.memory_space<vmem>>, %arg22: memref<8448xf32, #tpu.memory_space<vmem>>) attributes {dimension_semantics = [#tpu.dimension_semantics<core_parallel>, #tpu.dimension_semantics<subcore_parallel>], iteration_bounds = array<i64: 2, 16>, scalar_prefetch = 0 : i64, scratch_operands = 15 : i64, tpu.core_type = #tpu.core_type<sc_vector_subcore>, window_params = [{transform_indices = #map}, {transform_indices = #map}, {transform_indices = #map}, {transform_indices = #map}, {transform_indices = #map}, {transform_indices = #map1}]} {
    %mul3A = arith.constant 2 : i32
    %mul3A_0 = arith.muli %arg1, %mul3A : i32
    %add3A = arith.addi %mul3A_0, %arg0 : i32
    %mul3A_1 = arith.constant 3136 : i32
    %mul3A_2 = arith.muli %add3A, %mul3A_1 : i32
    "tpu.region"() ({
      %run_scoped3A_35 = tpu.sem_alloc : memref<!tpu.dma_semaphore, #tpu.memory_space<semaphore_mem>>
      %dma_start3A = tpu.memref_slice %arg6[%mul3A_2] : memref<100352xi32, #tpu.memory_space<hbm>> -> memref<3136xi32, #tpu.memory_space<hbm>>
      %dma_start3A_36 = tpu.memref_slice %arg6[%mul3A_2] : memref<100352xi32, #tpu.memory_space<hbm>> -> memref<3136xi32, #tpu.memory_space<hbm>>
      tpu.enqueue_dma source(%dma_start3A_36 : memref<3136xi32, #tpu.memory_space<hbm>>) target(%arg8 : memref<3136xi32, #tpu.memory_space<vmem>>) target_semaphore(%run_scoped3A_35 : memref<!tpu.dma_semaphore, #tpu.memory_space<semaphore_mem>>)
      %dma_wait3A = tpu.memref_slice %arg6[%mul3A_2] : memref<100352xi32, #tpu.memory_space<hbm>> -> memref<3136xi32, #tpu.memory_space<hbm>>
      %dma_wait3A_37 = tpu.memref_slice %arg6[%mul3A_2] : memref<100352xi32, #tpu.memory_space<hbm>> -> memref<3136xi32, #tpu.memory_space<hbm>>
      tpu.wait_dma2 semaphore(%run_scoped3A_35 : memref<!tpu.dma_semaphore, #tpu.memory_space<semaphore_mem>>) src(%dma_wait3A_37 : memref<3136xi32, #tpu.memory_space<hbm>>) dst(%arg8 : memref<3136xi32, #tpu.memory_space<vmem>>)
      tpu.yield
    }) : () -> ()
    "tpu.region"() ({
      %run_scoped3A_35 = tpu.sem_alloc : memref<!tpu.dma_semaphore, #tpu.memory_space<semaphore_mem>>
      %dma_start3A = tpu.memref_slice %arg2[%mul3A_2] : memref<100352xf32, #tpu.memory_space<hbm>> -> memref<3136xf32, #tpu.memory_space<hbm>>
      %dma_start3A_36 = tpu.memref_slice %arg2[%mul3A_2] : memref<100352xf32, #tpu.memory_space<hbm>> -> memref<3136xf32, #tpu.memory_space<hbm>>
      tpu.enqueue_dma source(%dma_start3A_36 : memref<3136xf32, #tpu.memory_space<hbm>>) target(%arg9 : memref<3136xf32, #tpu.memory_space<vmem>>) target_semaphore(%run_scoped3A_35 : memref<!tpu.dma_semaphore, #tpu.memory_space<semaphore_mem>>)
      %dma_wait3A = tpu.memref_slice %arg2[%mul3A_2] : memref<100352xf32, #tpu.memory_space<hbm>> -> memref<3136xf32, #tpu.memory_space<hbm>>
      %dma_wait3A_37 = tpu.memref_slice %arg2[%mul3A_2] : memref<100352xf32, #tpu.memory_space<hbm>> -> memref<3136xf32, #tpu.memory_space<hbm>>
      tpu.wait_dma2 semaphore(%run_scoped3A_35 : memref<!tpu.dma_semaphore, #tpu.memory_space<semaphore_mem>>) src(%dma_wait3A_37 : memref<3136xf32, #tpu.memory_space<hbm>>) dst(%arg9 : memref<3136xf32, #tpu.memory_space<vmem>>)
      tpu.yield
    }) : () -> ()
    "tpu.region"() ({
      %run_scoped3A_35 = tpu.sem_alloc : memref<!tpu.dma_semaphore, #tpu.memory_space<semaphore_mem>>
      %dma_start3A = tpu.memref_slice %arg3[%mul3A_2] : memref<100352xf32, #tpu.memory_space<hbm>> -> memref<3136xf32, #tpu.memory_space<hbm>>
      %dma_start3A_36 = tpu.memref_slice %arg3[%mul3A_2] : memref<100352xf32, #tpu.memory_space<hbm>> -> memref<3136xf32, #tpu.memory_space<hbm>>
      tpu.enqueue_dma source(%dma_start3A_36 : memref<3136xf32, #tpu.memory_space<hbm>>) target(%arg10 : memref<3136xf32, #tpu.memory_space<vmem>>) target_semaphore(%run_scoped3A_35 : memref<!tpu.dma_semaphore, #tpu.memory_space<semaphore_mem>>)
      %dma_wait3A = tpu.memref_slice %arg3[%mul3A_2] : memref<100352xf32, #tpu.memory_space<hbm>> -> memref<3136xf32, #tpu.memory_space<hbm>>
      %dma_wait3A_37 = tpu.memref_slice %arg3[%mul3A_2] : memref<100352xf32, #tpu.memory_space<hbm>> -> memref<3136xf32, #tpu.memory_space<hbm>>
      tpu.wait_dma2 semaphore(%run_scoped3A_35 : memref<!tpu.dma_semaphore, #tpu.memory_space<semaphore_mem>>) src(%dma_wait3A_37 : memref<3136xf32, #tpu.memory_space<hbm>>) dst(%arg10 : memref<3136xf32, #tpu.memory_space<vmem>>)
      tpu.yield
    }) : () -> ()
    "tpu.region"() ({
      %run_scoped3A_35 = tpu.sem_alloc : memref<!tpu.dma_semaphore, #tpu.memory_space<semaphore_mem>>
      %dma_start3A = tpu.memref_slice %arg4[%mul3A_2] : memref<100352xf32, #tpu.memory_space<hbm>> -> memref<3136xf32, #tpu.memory_space<hbm>>
      %dma_start3A_36 = tpu.memref_slice %arg4[%mul3A_2] : memref<100352xf32, #tpu.memory_space<hbm>> -> memref<3136xf32, #tpu.memory_space<hbm>>
      tpu.enqueue_dma source(%dma_start3A_36 : memref<3136xf32, #tpu.memory_space<hbm>>) target(%arg11 : memref<3136xf32, #tpu.memory_space<vmem>>) target_semaphore(%run_scoped3A_35 : memref<!tpu.dma_semaphore, #tpu.memory_space<semaphore_mem>>)
      %dma_wait3A = tpu.memref_slice %arg4[%mul3A_2] : memref<100352xf32, #tpu.memory_space<hbm>> -> memref<3136xf32, #tpu.memory_space<hbm>>
      %dma_wait3A_37 = tpu.memref_slice %arg4[%mul3A_2] : memref<100352xf32, #tpu.memory_space<hbm>> -> memref<3136xf32, #tpu.memory_space<hbm>>
      tpu.wait_dma2 semaphore(%run_scoped3A_35 : memref<!tpu.dma_semaphore, #tpu.memory_space<semaphore_mem>>) src(%dma_wait3A_37 : memref<3136xf32, #tpu.memory_space<hbm>>) dst(%arg11 : memref<3136xf32, #tpu.memory_space<vmem>>)
      tpu.yield
    }) : () -> ()
    "tpu.region"() ({
      %run_scoped3A_35 = tpu.sem_alloc : memref<!tpu.dma_semaphore, #tpu.memory_space<semaphore_mem>>
      %dma_start3A = tpu.memref_slice %arg5[%mul3A_2] : memref<100352xf32, #tpu.memory_space<hbm>> -> memref<3136xf32, #tpu.memory_space<hbm>>
      %dma_start3A_36 = tpu.memref_slice %arg5[%mul3A_2] : memref<100352xf32, #tpu.memory_space<hbm>> -> memref<3136xf32, #tpu.memory_space<hbm>>
      tpu.enqueue_dma source(%dma_start3A_36 : memref<3136xf32, #tpu.memory_space<hbm>>) target(%arg12 : memref<3136xf32, #tpu.memory_space<vmem>>) target_semaphore(%run_scoped3A_35 : memref<!tpu.dma_semaphore, #tpu.memory_space<semaphore_mem>>)
      %dma_wait3A = tpu.memref_slice %arg5[%mul3A_2] : memref<100352xf32, #tpu.memory_space<hbm>> -> memref<3136xf32, #tpu.memory_space<hbm>>
      %dma_wait3A_37 = tpu.memref_slice %arg5[%mul3A_2] : memref<100352xf32, #tpu.memory_space<hbm>> -> memref<3136xf32, #tpu.memory_space<hbm>>
      tpu.wait_dma2 semaphore(%run_scoped3A_35 : memref<!tpu.dma_semaphore, #tpu.memory_space<semaphore_mem>>) src(%dma_wait3A_37 : memref<3136xf32, #tpu.memory_space<hbm>>) dst(%arg12 : memref<3136xf32, #tpu.memory_space<vmem>>)
      tpu.yield
    }) : () -> ()
    %broadcast_in_dim3A = arith.constant 0.000000e+00 : f32
    %broadcast_in_dim3A_3 = vector.broadcast %broadcast_in_dim3A : f32 to vector<16xf32>
    %broadcast_in_dim3A_4 = arith.constant 0xFF800000 : f32
    %broadcast_in_dim3A_5 = vector.broadcast %broadcast_in_dim3A_4 : f32 to vector<16xf32>
    %broadcast_in_dim3A_6 = arith.constant 0x7F800000 : f32
    %broadcast_in_dim3A_7 = vector.broadcast %broadcast_in_dim3A_6 : f32 to vector<16xf32>
    %scan3A = arith.constant 0 : i32
    %scan3A_8 = arith.constant 0 : i32
    %scan3A_9 = arith.constant 528 : i32
    %scan3A_10 = arith.addi %scan3A_8, %scan3A_9 : i32
    %scan3A_11 = arith.constant 1 : i32
    %scan3A_12 = scf.for %scan3A_35 = %scan3A_8 to %scan3A_10 step %scan3A_11 iter_args(%scan3A_36 = %scan3A) -> (i32)  : i32 {
      %mul3A_37 = arith.constant 16 : i32
      %mul3A_38 = arith.muli %scan3A_35, %mul3A_37 : i32
      %swap3A = arith.index_cast %mul3A_38 : i32 to index
      %swap3A_39 = tpu.vector_load %arg13[%swap3A] {strides = array<i32>} : memref<8448xf32, #tpu.memory_space<vmem>>, vector<16xf32>,
      tpu.vector_store %arg13[%swap3A], %broadcast_in_dim3A_3 {strides = array<i32>} : memref<8448xf32, #tpu.memory_space<vmem>>, vector<16xf32>,
      %mul3A_40 = arith.constant 16 : i32
      %mul3A_41 = arith.muli %scan3A_35, %mul3A_40 : i32
      %swap3A_42 = arith.index_cast %mul3A_41 : i32 to index
      %swap3A_43 = tpu.vector_load %arg14[%swap3A_42] {strides = array<i32>} : memref<8448xf32, #tpu.memory_space<vmem>>, vector<16xf32>,
      tpu.vector_store %arg14[%swap3A_42], %broadcast_in_dim3A_3 {strides = array<i32>} : memref<8448xf32, #tpu.memory_space<vmem>>, vector<16xf32>,
      %mul3A_44 = arith.constant 16 : i32
      %mul3A_45 = arith.muli %scan3A_35, %mul3A_44 : i32
      %swap3A_46 = arith.index_cast %mul3A_45 : i32 to index
      %swap3A_47 = tpu.vector_load %arg15[%swap3A_46] {strides = array<i32>} : memref<8448xf32, #tpu.memory_space<vmem>>, vector<16xf32>,
      tpu.vector_store %arg15[%swap3A_46], %broadcast_in_dim3A_3 {strides = array<i32>} : memref<8448xf32, #tpu.memory_space<vmem>>, vector<16xf32>,
      %mul3A_48 = arith.constant 16 : i32
      %mul3A_49 = arith.muli %scan3A_35, %mul3A_48 : i32
      %swap3A_50 = arith.index_cast %mul3A_49 : i32 to index
      %swap3A_51 = tpu.vector_load %arg16[%swap3A_50] {strides = array<i32>} : memref<8448xf32, #tpu.memory_space<vmem>>, vector<16xf32>,
      tpu.vector_store %arg16[%swap3A_50], %broadcast_in_dim3A_3 {strides = array<i32>} : memref<8448xf32, #tpu.memory_space<vmem>>, vector<16xf32>,
      %mul3A_52 = arith.constant 16 : i32
      %mul3A_53 = arith.muli %scan3A_35, %mul3A_52 : i32
      %swap3A_54 = arith.index_cast %mul3A_53 : i32 to index
      %swap3A_55 = tpu.vector_load %arg17[%swap3A_54] {strides = array<i32>} : memref<8448xf32, #tpu.memory_space<vmem>>, vector<16xf32>,
      tpu.vector_store %arg17[%swap3A_54], %broadcast_in_dim3A_3 {strides = array<i32>} : memref<8448xf32, #tpu.memory_space<vmem>>, vector<16xf32>,
      %mul3A_56 = arith.constant 16 : i32
      %mul3A_57 = arith.muli %scan3A_35, %mul3A_56 : i32
      %swap3A_58 = arith.index_cast %mul3A_57 : i32 to index
      %swap3A_59 = tpu.vector_load %arg18[%swap3A_58] {strides = array<i32>} : memref<8448xf32, #tpu.memory_space<vmem>>, vector<16xf32>,
      tpu.vector_store %arg18[%swap3A_58], %broadcast_in_dim3A_3 {strides = array<i32>} : memref<8448xf32, #tpu.memory_space<vmem>>, vector<16xf32>,
      %mul3A_60 = arith.constant 16 : i32
      %mul3A_61 = arith.muli %scan3A_35, %mul3A_60 : i32
      %swap3A_62 = arith.index_cast %mul3A_61 : i32 to index
      %swap3A_63 = tpu.vector_load %arg19[%swap3A_62] {strides = array<i32>} : memref<8448xf32, #tpu.memory_space<vmem>>, vector<16xf32>,
      tpu.vector_store %arg19[%swap3A_62], %broadcast_in_dim3A_3 {strides = array<i32>} : memref<8448xf32, #tpu.memory_space<vmem>>, vector<16xf32>,
      %mul3A_64 = arith.constant 16 : i32
      %mul3A_65 = arith.muli %scan3A_35, %mul3A_64 : i32
      %swap3A_66 = arith.index_cast %mul3A_65 : i32 to index
      %swap3A_67 = tpu.vector_load %arg20[%swap3A_66] {strides = array<i32>} : memref<8448xf32, #tpu.memory_space<vmem>>, vector<16xf32>,
      tpu.vector_store %arg20[%swap3A_66], %broadcast_in_dim3A_3 {strides = array<i32>} : memref<8448xf32, #tpu.memory_space<vmem>>, vector<16xf32>,
      %mul3A_68 = arith.constant 16 : i32
      %mul3A_69 = arith.muli %scan3A_35, %mul3A_68 : i32
      %swap3A_70 = arith.index_cast %mul3A_69 : i32 to index
      %swap3A_71 = tpu.vector_load %arg21[%swap3A_70] {strides = array<i32>} : memref<8448xf32, #tpu.memory_space<vmem>>, vector<16xf32>,
      tpu.vector_store %arg21[%swap3A_70], %broadcast_in_dim3A_5 {strides = array<i32>} : memref<8448xf32, #tpu.memory_space<vmem>>, vector<16xf32>,
      %mul3A_72 = arith.constant 16 : i32
      %mul3A_73 = arith.muli %scan3A_35, %mul3A_72 : i32
      %swap3A_74 = arith.index_cast %mul3A_73 : i32 to index
      %swap3A_75 = tpu.vector_load %arg22[%swap3A_74] {strides = array<i32>} : memref<8448xf32, #tpu.memory_space<vmem>>, vector<16xf32>,
      tpu.vector_store %arg22[%swap3A_74], %broadcast_in_dim3A_7 {strides = array<i32>} : memref<8448xf32, #tpu.memory_space<vmem>>, vector<16xf32>,
      %scan3A_76 = arith.constant 0 : i32
      scf.yield %scan3A_76 : i32
    }
    %scan3A_13 = arith.constant 528 : i32
    %iota3A = tpu.iota {dimensions = array<i32: 0>} : vector<16xi32>
    %mul3A_14 = arith.constant 528 : i32
    %mul3A_15 = vector.broadcast %mul3A_14 : i32 to vector<16xi32>
    %mul3A_16 = arith.muli %iota3A, %mul3A_15 : vector<16xi32>
    %broadcast_in_dim3A_17 = arith.constant 1.000000e+00 : f32
    %broadcast_in_dim3A_18 = vector.broadcast %broadcast_in_dim3A_17 : f32 to vector<16xf32>
    %scan3A_19 = arith.constant 0 : i32
    %scan3A_20 = arith.constant 0 : i32
    %scan3A_21 = arith.constant 196 : i32
    %scan3A_22 = arith.addi %scan3A_20, %scan3A_21 : i32
    %scan3A_23 = arith.constant 1 : i32
    %scan3A_24 = scf.for %scan3A_35 = %scan3A_20 to %scan3A_22 step %scan3A_23 iter_args(%scan3A_36 = %scan3A_19) -> (i32)  : i32 {
      %mul3A_37 = arith.constant 16 : i32
      %mul3A_38 = arith.muli %scan3A_35, %mul3A_37 : i32
      %get3A = arith.index_cast %mul3A_38 : i32 to index
      %get3A_39 = tpu.vector_load %arg8[%get3A] {strides = array<i32>} : memref<3136xi32, #tpu.memory_space<vmem>>, vector<16xi32>,
      %add3A_40 = arith.addi %mul3A_16, %get3A_39 : vector<16xi32>
      %mul3A_41 = arith.constant 16 : i32
      %mul3A_42 = arith.muli %scan3A_35, %mul3A_41 : i32
      %get3A_43 = arith.index_cast %mul3A_42 : i32 to index
      %get3A_44 = tpu.vector_load %arg9[%get3A_43] {strides = array<i32>} : memref<3136xf32, #tpu.memory_space<vmem>>, vector<16xf32>,
      %mul3A_45 = arith.constant 16 : i32
      %mul3A_46 = arith.muli %scan3A_35, %mul3A_45 : i32
      %get3A_47 = arith.index_cast %mul3A_46 : i32 to index
      %get3A_48 = tpu.vector_load %arg10[%get3A_47] {strides = array<i32>} : memref<3136xf32, #tpu.memory_space<vmem>>, vector<16xf32>,
      %mul3A_49 = arith.constant 16 : i32
      %mul3A_50 = arith.muli %scan3A_35, %mul3A_49 : i32
      %get3A_51 = arith.index_cast %mul3A_50 : i32 to index
      %get3A_52 = tpu.vector_load %arg11[%get3A_51] {strides = array<i32>} : memref<3136xf32, #tpu.memory_space<vmem>>, vector<16xf32>,
      %mul3A_53 = arith.constant 16 : i32
      %mul3A_54 = arith.muli %scan3A_35, %mul3A_53 : i32
      %get3A_55 = arith.index_cast %mul3A_54 : i32 to index
      %get3A_56 = tpu.vector_load %arg12[%get3A_55] {strides = array<i32>} : memref<3136xf32, #tpu.memory_space<vmem>>, vector<16xf32>,
      tpu.vector_store_idx %arg13[%add3A_40], %broadcast_in_dim3A_18 {add = true} : memref<8448xf32, #tpu.memory_space<vmem>>[vector<16xi32>], vector<16xf32>,
      tpu.vector_store_idx %arg14[%add3A_40], %get3A_44 {add = true} : memref<8448xf32, #tpu.memory_space<vmem>>[vector<16xi32>], vector<16xf32>,
      tpu.vector_store_idx %arg15[%add3A_40], %get3A_48 {add = true} : memref<8448xf32, #tpu.memory_space<vmem>>[vector<16xi32>], vector<16xf32>,
      tpu.vector_store_idx %arg16[%add3A_40], %get3A_52 {add = true} : memref<8448xf32, #tpu.memory_space<vmem>>[vector<16xi32>], vector<16xf32>,
      %mul3A_57 = arith.mulf %get3A_44, %get3A_44 : vector<16xf32>
      tpu.vector_store_idx %arg17[%add3A_40], %mul3A_57 {add = true} : memref<8448xf32, #tpu.memory_space<vmem>>[vector<16xi32>], vector<16xf32>,
      %mul3A_58 = arith.mulf %get3A_48, %get3A_48 : vector<16xf32>
      tpu.vector_store_idx %arg18[%add3A_40], %mul3A_58 {add = true} : memref<8448xf32, #tpu.memory_space<vmem>>[vector<16xi32>], vector<16xf32>,
      %mul3A_59 = arith.mulf %get3A_52, %get3A_52 : vector<16xf32>
      tpu.vector_store_idx %arg19[%add3A_40], %mul3A_59 {add = true} : memref<8448xf32, #tpu.memory_space<vmem>>[vector<16xi32>], vector<16xf32>,
      tpu.vector_store_idx %arg20[%add3A_40], %get3A_56 {add = true} : memref<8448xf32, #tpu.memory_space<vmem>>[vector<16xi32>], vector<16xf32>,
      %gather3A = tpu.vector_load_idx %arg21[%add3A_40] : memref<8448xf32, #tpu.memory_space<vmem>>[vector<16xi32>], vector<16xf32>,
      %max3A = arith.maximumf %gather3A, %get3A_56 : vector<16xf32>
      tpu.vector_store_idx %arg21[%add3A_40], %max3A : memref<8448xf32, #tpu.memory_space<vmem>>[vector<16xi32>], vector<16xf32>,
      %gather3A_60 = tpu.vector_load_idx %arg22[%add3A_40] : memref<8448xf32, #tpu.memory_space<vmem>>[vector<16xi32>], vector<16xf32>,
      %min3A = arith.minimumf %gather3A_60, %get3A_56 : vector<16xf32>
      tpu.vector_store_idx %arg22[%add3A_40], %min3A : memref<8448xf32, #tpu.memory_space<vmem>>[vector<16xi32>], vector<16xf32>,
      %scan3A_61 = arith.constant 0 : i32
      scf.yield %scan3A_61 : i32
    }
    %scan3A_25 = arith.constant 196 : i32
    %run_scoped3A = arith.constant 0 : i32
    "tpu.region"() ({
      %run_scoped3A_35 = tpu.sem_alloc : memref<!tpu.dma_semaphore, #tpu.memory_space<semaphore_mem>>
      %dma_start3A = arith.constant 0 : i32
      %dma_start3A_36 = tpu.memref_slice %arg7[%run_scoped3A, %add3A, %dma_start3A] : memref<10x32x8448xf32, #tpu.memory_space<hbm>> -> memref<1x1x8448xf32, #tpu.memory_space<hbm>>
      %dma_start3A_37 = tpu.memref_squeeze %dma_start3A_36 : memref<1x1x8448xf32, #tpu.memory_space<hbm>> -> memref<8448xf32, #tpu.memory_space<hbm>>
      %dma_start3A_38 = arith.constant 0 : i32
      %dma_start3A_39 = tpu.memref_slice %arg7[%run_scoped3A, %add3A, %dma_start3A_38] : memref<10x32x8448xf32, #tpu.memory_space<hbm>> -> memref<1x1x8448xf32, #tpu.memory_space<hbm>>
      %dma_start3A_40 = tpu.memref_squeeze %dma_start3A_39 : memref<1x1x8448xf32, #tpu.memory_space<hbm>> -> memref<8448xf32, #tpu.memory_space<hbm>>
      tpu.enqueue_dma source(%arg13 : memref<8448xf32, #tpu.memory_space<vmem>>) target(%dma_start3A_40 : memref<8448xf32, #tpu.memory_space<hbm>>) target_semaphore(%run_scoped3A_35 : memref<!tpu.dma_semaphore, #tpu.memory_space<semaphore_mem>>)
      %dma_wait3A = arith.constant 0 : i32
      %dma_wait3A_41 = tpu.memref_slice %arg7[%run_scoped3A, %add3A, %dma_wait3A] : memref<10x32x8448xf32, #tpu.memory_space<hbm>> -> memref<1x1x8448xf32, #tpu.memory_space<hbm>>
      %dma_wait3A_42 = tpu.memref_squeeze %dma_wait3A_41 : memref<1x1x8448xf32, #tpu.memory_space<hbm>> -> memref<8448xf32, #tpu.memory_space<hbm>>
      %dma_wait3A_43 = arith.constant 0 : i32
      %dma_wait3A_44 = tpu.memref_slice %arg7[%run_scoped3A, %add3A, %dma_wait3A_43] : memref<10x32x8448xf32, #tpu.memory_space<hbm>> -> memref<1x1x8448xf32, #tpu.memory_space<hbm>>
      %dma_wait3A_45 = tpu.memref_squeeze %dma_wait3A_44 : memref<1x1x8448xf32, #tpu.memory_space<hbm>> -> memref<8448xf32, #tpu.memory_space<hbm>>
      tpu.wait_dma2 semaphore(%run_scoped3A_35 : memref<!tpu.dma_semaphore, #tpu.memory_space<semaphore_mem>>) src(%arg13 : memref<8448xf32, #tpu.memory_space<vmem>>) dst(%dma_wait3A_45 : memref<8448xf32, #tpu.memory_space<hbm>>)
      tpu.yield
    }) : () -> ()
    %run_scoped3A_26 = arith.constant 1 : i32
    "tpu.region"() ({
      %run_scoped3A_35 = tpu.sem_alloc : memref<!tpu.dma_semaphore, #tpu.memory_space<semaphore_mem>>
      %dma_start3A = arith.constant 0 : i32
      %dma_start3A_36 = tpu.memref_slice %arg7[%run_scoped3A_26, %add3A, %dma_start3A] : memref<10x32x8448xf32, #tpu.memory_space<hbm>> -> memref<1x1x8448xf32, #tpu.memory_space<hbm>>
      %dma_start3A_37 = tpu.memref_squeeze %dma_start3A_36 : memref<1x1x8448xf32, #tpu.memory_space<hbm>> -> memref<8448xf32, #tpu.memory_space<hbm>>
      %dma_start3A_38 = arith.constant 0 : i32
      %dma_start3A_39 = tpu.memref_slice %arg7[%run_scoped3A_26, %add3A, %dma_start3A_38] : memref<10x32x8448xf32, #tpu.memory_space<hbm>> -> memref<1x1x8448xf32, #tpu.memory_space<hbm>>
      %dma_start3A_40 = tpu.memref_squeeze %dma_start3A_39 : memref<1x1x8448xf32, #tpu.memory_space<hbm>> -> memref<8448xf32, #tpu.memory_space<hbm>>
      tpu.enqueue_dma source(%arg14 : memref<8448xf32, #tpu.memory_space<vmem>>) target(%dma_start3A_40 : memref<8448xf32, #tpu.memory_space<hbm>>) target_semaphore(%run_scoped3A_35 : memref<!tpu.dma_semaphore, #tpu.memory_space<semaphore_mem>>)
      %dma_wait3A = arith.constant 0 : i32
      %dma_wait3A_41 = tpu.memref_slice %arg7[%run_scoped3A_26, %add3A, %dma_wait3A] : memref<10x32x8448xf32, #tpu.memory_space<hbm>> -> memref<1x1x8448xf32, #tpu.memory_space<hbm>>
      %dma_wait3A_42 = tpu.memref_squeeze %dma_wait3A_41 : memref<1x1x8448xf32, #tpu.memory_space<hbm>> -> memref<8448xf32, #tpu.memory_space<hbm>>
      %dma_wait3A_43 = arith.constant 0 : i32
      %dma_wait3A_44 = tpu.memref_slice %arg7[%run_scoped3A_26, %add3A, %dma_wait3A_43] : memref<10x32x8448xf32, #tpu.memory_space<hbm>> -> memref<1x1x8448xf32, #tpu.memory_space<hbm>>
      %dma_wait3A_45 = tpu.memref_squeeze %dma_wait3A_44 : memref<1x1x8448xf32, #tpu.memory_space<hbm>> -> memref<8448xf32, #tpu.memory_space<hbm>>
      tpu.wait_dma2 semaphore(%run_scoped3A_35 : memref<!tpu.dma_semaphore, #tpu.memory_space<semaphore_mem>>) src(%arg14 : memref<8448xf32, #tpu.memory_space<vmem>>) dst(%dma_wait3A_45 : memref<8448xf32, #tpu.memory_space<hbm>>)
      tpu.yield
    }) : () -> ()
    %run_scoped3A_27 = arith.constant 2 : i32
    "tpu.region"() ({
      %run_scoped3A_35 = tpu.sem_alloc : memref<!tpu.dma_semaphore, #tpu.memory_space<semaphore_mem>>
      %dma_start3A = arith.constant 0 : i32
      %dma_start3A_36 = tpu.memref_slice %arg7[%run_scoped3A_27, %add3A, %dma_start3A] : memref<10x32x8448xf32, #tpu.memory_space<hbm>> -> memref<1x1x8448xf32, #tpu.memory_space<hbm>>
      %dma_start3A_37 = tpu.memref_squeeze %dma_start3A_36 : memref<1x1x8448xf32, #tpu.memory_space<hbm>> -> memref<8448xf32, #tpu.memory_space<hbm>>
      %dma_start3A_38 = arith.constant 0 : i32
      %dma_start3A_39 = tpu.memref_slice %arg7[%run_scoped3A_27, %add3A, %dma_start3A_38] : memref<10x32x8448xf32, #tpu.memory_space<hbm>> -> memref<1x1x8448xf32, #tpu.memory_space<hbm>>
      %dma_start3A_40 = tpu.memref_squeeze %dma_start3A_39 : memref<1x1x8448xf32, #tpu.memory_space<hbm>> -> memref<8448xf32, #tpu.memory_space<hbm>>
      tpu.enqueue_dma source(%arg15 : memref<8448xf32, #tpu.memory_space<vmem>>) target(%dma_start3A_40 : memref<8448xf32, #tpu.memory_space<hbm>>) target_semaphore(%run_scoped3A_35 : memref<!tpu.dma_semaphore, #tpu.memory_space<semaphore_mem>>)
      %dma_wait3A = arith.constant 0 : i32
      %dma_wait3A_41 = tpu.memref_slice %arg7[%run_scoped3A_27, %add3A, %dma_wait3A] : memref<10x32x8448xf32, #tpu.memory_space<hbm>> -> memref<1x1x8448xf32, #tpu.memory_space<hbm>>
      %dma_wait3A_42 = tpu.memref_squeeze %dma_wait3A_41 : memref<1x1x8448xf32, #tpu.memory_space<hbm>> -> memref<8448xf32, #tpu.memory_space<hbm>>
      %dma_wait3A_43 = arith.constant 0 : i32
      %dma_wait3A_44 = tpu.memref_slice %arg7[%run_scoped3A_27, %add3A, %dma_wait3A_43] : memref<10x32x8448xf32, #tpu.memory_space<hbm>> -> memref<1x1x8448xf32, #tpu.memory_space<hbm>>
      %dma_wait3A_45 = tpu.memref_squeeze %dma_wait3A_44 : memref<1x1x8448xf32, #tpu.memory_space<hbm>> -> memref<8448xf32, #tpu.memory_space<hbm>>
      tpu.wait_dma2 semaphore(%run_scoped3A_35 : memref<!tpu.dma_semaphore, #tpu.memory_space<semaphore_mem>>) src(%arg15 : memref<8448xf32, #tpu.memory_space<vmem>>) dst(%dma_wait3A_45 : memref<8448xf32, #tpu.memory_space<hbm>>)
      tpu.yield
    }) : () -> ()
    %run_scoped3A_28 = arith.constant 3 : i32
    "tpu.region"() ({
      %run_scoped3A_35 = tpu.sem_alloc : memref<!tpu.dma_semaphore, #tpu.memory_space<semaphore_mem>>
      %dma_start3A = arith.constant 0 : i32
      %dma_start3A_36 = tpu.memref_slice %arg7[%run_scoped3A_28, %add3A, %dma_start3A] : memref<10x32x8448xf32, #tpu.memory_space<hbm>> -> memref<1x1x8448xf32, #tpu.memory_space<hbm>>
      %dma_start3A_37 = tpu.memref_squeeze %dma_start3A_36 : memref<1x1x8448xf32, #tpu.memory_space<hbm>> -> memref<8448xf32, #tpu.memory_space<hbm>>
      %dma_start3A_38 = arith.constant 0 : i32
      %dma_start3A_39 = tpu.memref_slice %arg7[%run_scoped3A_28, %add3A, %dma_start3A_38] : memref<10x32x8448xf32, #tpu.memory_space<hbm>> -> memref<1x1x8448xf32, #tpu.memory_space<hbm>>
      %dma_start3A_40 = tpu.memref_squeeze %dma_start3A_39 : memref<1x1x8448xf32, #tpu.memory_space<hbm>> -> memref<8448xf32, #tpu.memory_space<hbm>>
      tpu.enqueue_dma source(%arg16 : memref<8448xf32, #tpu.memory_space<vmem>>) target(%dma_start3A_40 : memref<8448xf32, #tpu.memory_space<hbm>>) target_semaphore(%run_scoped3A_35 : memref<!tpu.dma_semaphore, #tpu.memory_space<semaphore_mem>>)
      %dma_wait3A = arith.constant 0 : i32
      %dma_wait3A_41 = tpu.memref_slice %arg7[%run_scoped3A_28, %add3A, %dma_wait3A] : memref<10x32x8448xf32, #tpu.memory_space<hbm>> -> memref<1x1x8448xf32, #tpu.memory_space<hbm>>
      %dma_wait3A_42 = tpu.memref_squeeze %dma_wait3A_41 : memref<1x1x8448xf32, #tpu.memory_space<hbm>> -> memref<8448xf32, #tpu.memory_space<hbm>>
      %dma_wait3A_43 = arith.constant 0 : i32
      %dma_wait3A_44 = tpu.memref_slice %arg7[%run_scoped3A_28, %add3A, %dma_wait3A_43] : memref<10x32x8448xf32, #tpu.memory_space<hbm>> -> memref<1x1x8448xf32, #tpu.memory_space<hbm>>
      %dma_wait3A_45 = tpu.memref_squeeze %dma_wait3A_44 : memref<1x1x8448xf32, #tpu.memory_space<hbm>> -> memref<8448xf32, #tpu.memory_space<hbm>>
      tpu.wait_dma2 semaphore(%run_scoped3A_35 : memref<!tpu.dma_semaphore, #tpu.memory_space<semaphore_mem>>) src(%arg16 : memref<8448xf32, #tpu.memory_space<vmem>>) dst(%dma_wait3A_45 : memref<8448xf32, #tpu.memory_space<hbm>>)
      tpu.yield
    }) : () -> ()
    %run_scoped3A_29 = arith.constant 4 : i32
    "tpu.region"() ({
      %run_scoped3A_35 = tpu.sem_alloc : memref<!tpu.dma_semaphore, #tpu.memory_space<semaphore_mem>>
      %dma_start3A = arith.constant 0 : i32
      %dma_start3A_36 = tpu.memref_slice %arg7[%run_scoped3A_29, %add3A, %dma_start3A] : memref<10x32x8448xf32, #tpu.memory_space<hbm>> -> memref<1x1x8448xf32, #tpu.memory_space<hbm>>
      %dma_start3A_37 = tpu.memref_squeeze %dma_start3A_36 : memref<1x1x8448xf32, #tpu.memory_space<hbm>> -> memref<8448xf32, #tpu.memory_space<hbm>>
      %dma_start3A_38 = arith.constant 0 : i32
      %dma_start3A_39 = tpu.memref_slice %arg7[%run_scoped3A_29, %add3A, %dma_start3A_38] : memref<10x32x8448xf32, #tpu.memory_space<hbm>> -> memref<1x1x8448xf32, #tpu.memory_space<hbm>>
      %dma_start3A_40 = tpu.memref_squeeze %dma_start3A_39 : memref<1x1x8448xf32, #tpu.memory_space<hbm>> -> memref<8448xf32, #tpu.memory_space<hbm>>
      tpu.enqueue_dma source(%arg17 : memref<8448xf32, #tpu.memory_space<vmem>>) target(%dma_start3A_40 : memref<8448xf32, #tpu.memory_space<hbm>>) target_semaphore(%run_scoped3A_35 : memref<!tpu.dma_semaphore, #tpu.memory_space<semaphore_mem>>)
      %dma_wait3A = arith.constant 0 : i32
      %dma_wait3A_41 = tpu.memref_slice %arg7[%run_scoped3A_29, %add3A, %dma_wait3A] : memref<10x32x8448xf32, #tpu.memory_space<hbm>> -> memref<1x1x8448xf32, #tpu.memory_space<hbm>>
      %dma_wait3A_42 = tpu.memref_squeeze %dma_wait3A_41 : memref<1x1x8448xf32, #tpu.memory_space<hbm>> -> memref<8448xf32, #tpu.memory_space<hbm>>
      %dma_wait3A_43 = arith.constant 0 : i32
      %dma_wait3A_44 = tpu.memref_slice %arg7[%run_scoped3A_29, %add3A, %dma_wait3A_43] : memref<10x32x8448xf32, #tpu.memory_space<hbm>> -> memref<1x1x8448xf32, #tpu.memory_space<hbm>>
      %dma_wait3A_45 = tpu.memref_squeeze %dma_wait3A_44 : memref<1x1x8448xf32, #tpu.memory_space<hbm>> -> memref<8448xf32, #tpu.memory_space<hbm>>
      tpu.wait_dma2 semaphore(%run_scoped3A_35 : memref<!tpu.dma_semaphore, #tpu.memory_space<semaphore_mem>>) src(%arg17 : memref<8448xf32, #tpu.memory_space<vmem>>) dst(%dma_wait3A_45 : memref<8448xf32, #tpu.memory_space<hbm>>)
      tpu.yield
    }) : () -> ()
    %run_scoped3A_30 = arith.constant 5 : i32
    "tpu.region"() ({
      %run_scoped3A_35 = tpu.sem_alloc : memref<!tpu.dma_semaphore, #tpu.memory_space<semaphore_mem>>
      %dma_start3A = arith.constant 0 : i32
      %dma_start3A_36 = tpu.memref_slice %arg7[%run_scoped3A_30, %add3A, %dma_start3A] : memref<10x32x8448xf32, #tpu.memory_space<hbm>> -> memref<1x1x8448xf32, #tpu.memory_space<hbm>>
      %dma_start3A_37 = tpu.memref_squeeze %dma_start3A_36 : memref<1x1x8448xf32, #tpu.memory_space<hbm>> -> memref<8448xf32, #tpu.memory_space<hbm>>
      %dma_start3A_38 = arith.constant 0 : i32
      %dma_start3A_39 = tpu.memref_slice %arg7[%run_scoped3A_30, %add3A, %dma_start3A_38] : memref<10x32x8448xf32, #tpu.memory_space<hbm>> -> memref<1x1x8448xf32, #tpu.memory_space<hbm>>
      %dma_start3A_40 = tpu.memref_squeeze %dma_start3A_39 : memref<1x1x8448xf32, #tpu.memory_space<hbm>> -> memref<8448xf32, #tpu.memory_space<hbm>>
      tpu.enqueue_dma source(%arg18 : memref<8448xf32, #tpu.memory_space<vmem>>) target(%dma_start3A_40 : memref<8448xf32, #tpu.memory_space<hbm>>) target_semaphore(%run_scoped3A_35 : memref<!tpu.dma_semaphore, #tpu.memory_space<semaphore_mem>>)
      %dma_wait3A = arith.constant 0 : i32
      %dma_wait3A_41 = tpu.memref_slice %arg7[%run_scoped3A_30, %add3A, %dma_wait3A] : memref<10x32x8448xf32, #tpu.memory_space<hbm>> -> memref<1x1x8448xf32, #tpu.memory_space<hbm>>
      %dma_wait3A_42 = tpu.memref_squeeze %dma_wait3A_41 : memref<1x1x8448xf32, #tpu.memory_space<hbm>> -> memref<8448xf32, #tpu.memory_space<hbm>>
      %dma_wait3A_43 = arith.constant 0 : i32
      %dma_wait3A_44 = tpu.memref_slice %arg7[%run_scoped3A_30, %add3A, %dma_wait3A_43] : memref<10x32x8448xf32, #tpu.memory_space<hbm>> -> memref<1x1x8448xf32, #tpu.memory_space<hbm>>
      %dma_wait3A_45 = tpu.memref_squeeze %dma_wait3A_44 : memref<1x1x8448xf32, #tpu.memory_space<hbm>> -> memref<8448xf32, #tpu.memory_space<hbm>>
      tpu.wait_dma2 semaphore(%run_scoped3A_35 : memref<!tpu.dma_semaphore, #tpu.memory_space<semaphore_mem>>) src(%arg18 : memref<8448xf32, #tpu.memory_space<vmem>>) dst(%dma_wait3A_45 : memref<8448xf32, #tpu.memory_space<hbm>>)
      tpu.yield
    }) : () -> ()
    %run_scoped3A_31 = arith.constant 6 : i32
    "tpu.region"() ({
      %run_scoped3A_35 = tpu.sem_alloc : memref<!tpu.dma_semaphore, #tpu.memory_space<semaphore_mem>>
      %dma_start3A = arith.constant 0 : i32
      %dma_start3A_36 = tpu.memref_slice %arg7[%run_scoped3A_31, %add3A, %dma_start3A] : memref<10x32x8448xf32, #tpu.memory_space<hbm>> -> memref<1x1x8448xf32, #tpu.memory_space<hbm>>
      %dma_start3A_37 = tpu.memref_squeeze %dma_start3A_36 : memref<1x1x8448xf32, #tpu.memory_space<hbm>> -> memref<8448xf32, #tpu.memory_space<hbm>>
      %dma_start3A_38 = arith.constant 0 : i32
      %dma_start3A_39 = tpu.memref_slice %arg7[%run_scoped3A_31, %add3A, %dma_start3A_38] : memref<10x32x8448xf32, #tpu.memory_space<hbm>> -> memref<1x1x8448xf32, #tpu.memory_space<hbm>>
      %dma_start3A_40 = tpu.memref_squeeze %dma_start3A_39 : memref<1x1x8448xf32, #tpu.memory_space<hbm>> -> memref<8448xf32, #tpu.memory_space<hbm>>
      tpu.enqueue_dma source(%arg19 : memref<8448xf32, #tpu.memory_space<vmem>>) target(%dma_start3A_40 : memref<8448xf32, #tpu.memory_space<hbm>>) target_semaphore(%run_scoped3A_35 : memref<!tpu.dma_semaphore, #tpu.memory_space<semaphore_mem>>)
      %dma_wait3A = arith.constant 0 : i32
      %dma_wait3A_41 = tpu.memref_slice %arg7[%run_scoped3A_31, %add3A, %dma_wait3A] : memref<10x32x8448xf32, #tpu.memory_space<hbm>> -> memref<1x1x8448xf32, #tpu.memory_space<hbm>>
      %dma_wait3A_42 = tpu.memref_squeeze %dma_wait3A_41 : memref<1x1x8448xf32, #tpu.memory_space<hbm>> -> memref<8448xf32, #tpu.memory_space<hbm>>
      %dma_wait3A_43 = arith.constant 0 : i32
      %dma_wait3A_44 = tpu.memref_slice %arg7[%run_scoped3A_31, %add3A, %dma_wait3A_43] : memref<10x32x8448xf32, #tpu.memory_space<hbm>> -> memref<1x1x8448xf32, #tpu.memory_space<hbm>>
      %dma_wait3A_45 = tpu.memref_squeeze %dma_wait3A_44 : memref<1x1x8448xf32, #tpu.memory_space<hbm>> -> memref<8448xf32, #tpu.memory_space<hbm>>
      tpu.wait_dma2 semaphore(%run_scoped3A_35 : memref<!tpu.dma_semaphore, #tpu.memory_space<semaphore_mem>>) src(%arg19 : memref<8448xf32, #tpu.memory_space<vmem>>) dst(%dma_wait3A_45 : memref<8448xf32, #tpu.memory_space<hbm>>)
      tpu.yield
    }) : () -> ()
    %run_scoped3A_32 = arith.constant 7 : i32
    "tpu.region"() ({
      %run_scoped3A_35 = tpu.sem_alloc : memref<!tpu.dma_semaphore, #tpu.memory_space<semaphore_mem>>
      %dma_start3A = arith.constant 0 : i32
      %dma_start3A_36 = tpu.memref_slice %arg7[%run_scoped3A_32, %add3A, %dma_start3A] : memref<10x32x8448xf32, #tpu.memory_space<hbm>> -> memref<1x1x8448xf32, #tpu.memory_space<hbm>>
      %dma_start3A_37 = tpu.memref_squeeze %dma_start3A_36 : memref<1x1x8448xf32, #tpu.memory_space<hbm>> -> memref<8448xf32, #tpu.memory_space<hbm>>
      %dma_start3A_38 = arith.constant 0 : i32
      %dma_start3A_39 = tpu.memref_slice %arg7[%run_scoped3A_32, %add3A, %dma_start3A_38] : memref<10x32x8448xf32, #tpu.memory_space<hbm>> -> memref<1x1x8448xf32, #tpu.memory_space<hbm>>
      %dma_start3A_40 = tpu.memref_squeeze %dma_start3A_39 : memref<1x1x8448xf32, #tpu.memory_space<hbm>> -> memref<8448xf32, #tpu.memory_space<hbm>>
      tpu.enqueue_dma source(%arg20 : memref<8448xf32, #tpu.memory_space<vmem>>) target(%dma_start3A_40 : memref<8448xf32, #tpu.memory_space<hbm>>) target_semaphore(%run_scoped3A_35 : memref<!tpu.dma_semaphore, #tpu.memory_space<semaphore_mem>>)
      %dma_wait3A = arith.constant 0 : i32
      %dma_wait3A_41 = tpu.memref_slice %arg7[%run_scoped3A_32, %add3A, %dma_wait3A] : memref<10x32x8448xf32, #tpu.memory_space<hbm>> -> memref<1x1x8448xf32, #tpu.memory_space<hbm>>
      %dma_wait3A_42 = tpu.memref_squeeze %dma_wait3A_41 : memref<1x1x8448xf32, #tpu.memory_space<hbm>> -> memref<8448xf32, #tpu.memory_space<hbm>>
      %dma_wait3A_43 = arith.constant 0 : i32
      %dma_wait3A_44 = tpu.memref_slice %arg7[%run_scoped3A_32, %add3A, %dma_wait3A_43] : memref<10x32x8448xf32, #tpu.memory_space<hbm>> -> memref<1x1x8448xf32, #tpu.memory_space<hbm>>
      %dma_wait3A_45 = tpu.memref_squeeze %dma_wait3A_44 : memref<1x1x8448xf32, #tpu.memory_space<hbm>> -> memref<8448xf32, #tpu.memory_space<hbm>>
      tpu.wait_dma2 semaphore(%run_scoped3A_35 : memref<!tpu.dma_semaphore, #tpu.memory_space<semaphore_mem>>) src(%arg20 : memref<8448xf32, #tpu.memory_space<vmem>>) dst(%dma_wait3A_45 : memref<8448xf32, #tpu.memory_space<hbm>>)
      tpu.yield
    }) : () -> ()
    %run_scoped3A_33 = arith.constant 8 : i32
    "tpu.region"() ({
      %run_scoped3A_35 = tpu.sem_alloc : memref<!tpu.dma_semaphore, #tpu.memory_space<semaphore_mem>>
      %dma_start3A = arith.constant 0 : i32
      %dma_start3A_36 = tpu.memref_slice %arg7[%run_scoped3A_33, %add3A, %dma_start3A] : memref<10x32x8448xf32, #tpu.memory_space<hbm>> -> memref<1x1x8448xf32, #tpu.memory_space<hbm>>
      %dma_start3A_37 = tpu.memref_squeeze %dma_start3A_36 : memref<1x1x8448xf32, #tpu.memory_space<hbm>> -> memref<8448xf32, #tpu.memory_space<hbm>>
      %dma_start3A_38 = arith.constant 0 : i32
      %dma_start3A_39 = tpu.memref_slice %arg7[%run_scoped3A_33, %add3A, %dma_start3A_38] : memref<10x32x8448xf32, #tpu.memory_space<hbm>> -> memref<1x1x8448xf32, #tpu.memory_space<hbm>>
      %dma_start3A_40 = tpu.memref_squeeze %dma_start3A_39 : memref<1x1x8448xf32, #tpu.memory_space<hbm>> -> memref<8448xf32, #tpu.memory_space<hbm>>
      tpu.enqueue_dma source(%arg21 : memref<8448xf32, #tpu.memory_space<vmem>>) target(%dma_start3A_40 : memref<8448xf32, #tpu.memory_space<hbm>>) target_semaphore(%run_scoped3A_35 : memref<!tpu.dma_semaphore, #tpu.memory_space<semaphore_mem>>)
      %dma_wait3A = arith.constant 0 : i32
      %dma_wait3A_41 = tpu.memref_slice %arg7[%run_scoped3A_33, %add3A, %dma_wait3A] : memref<10x32x8448xf32, #tpu.memory_space<hbm>> -> memref<1x1x8448xf32, #tpu.memory_space<hbm>>
      %dma_wait3A_42 = tpu.memref_squeeze %dma_wait3A_41 : memref<1x1x8448xf32, #tpu.memory_space<hbm>> -> memref<8448xf32, #tpu.memory_space<hbm>>
      %dma_wait3A_43 = arith.constant 0 : i32
      %dma_wait3A_44 = tpu.memref_slice %arg7[%run_scoped3A_33, %add3A, %dma_wait3A_43] : memref<10x32x8448xf32, #tpu.memory_space<hbm>> -> memref<1x1x8448xf32, #tpu.memory_space<hbm>>
      %dma_wait3A_45 = tpu.memref_squeeze %dma_wait3A_44 : memref<1x1x8448xf32, #tpu.memory_space<hbm>> -> memref<8448xf32, #tpu.memory_space<hbm>>
      tpu.wait_dma2 semaphore(%run_scoped3A_35 : memref<!tpu.dma_semaphore, #tpu.memory_space<semaphore_mem>>) src(%arg21 : memref<8448xf32, #tpu.memory_space<vmem>>) dst(%dma_wait3A_45 : memref<8448xf32, #tpu.memory_space<hbm>>)
      tpu.yield
    }) : () -> ()
    %run_scoped3A_34 = arith.constant 9 : i32
    "tpu.region"() ({
      %run_scoped3A_35 = tpu.sem_alloc : memref<!tpu.dma_semaphore, #tpu.memory_space<semaphore_mem>>
      %dma_start3A = arith.constant 0 : i32
      %dma_start3A_36 = tpu.memref_slice %arg7[%run_scoped3A_34, %add3A, %dma_start3A] : memref<10x32x8448xf32, #tpu.memory_space<hbm>> -> memref<1x1x8448xf32, #tpu.memory_space<hbm>>
      %dma_start3A_37 = tpu.memref_squeeze %dma_start3A_36 : memref<1x1x8448xf32, #tpu.memory_space<hbm>> -> memref<8448xf32, #tpu.memory_space<hbm>>
      %dma_start3A_38 = arith.constant 0 : i32
      %dma_start3A_39 = tpu.memref_slice %arg7[%run_scoped3A_34, %add3A, %dma_start3A_38] : memref<10x32x8448xf32, #tpu.memory_space<hbm>> -> memref<1x1x8448xf32, #tpu.memory_space<hbm>>
      %dma_start3A_40 = tpu.memref_squeeze %dma_start3A_39 : memref<1x1x8448xf32, #tpu.memory_space<hbm>> -> memref<8448xf32, #tpu.memory_space<hbm>>
      tpu.enqueue_dma source(%arg22 : memref<8448xf32, #tpu.memory_space<vmem>>) target(%dma_start3A_40 : memref<8448xf32, #tpu.memory_space<hbm>>) target_semaphore(%run_scoped3A_35 : memref<!tpu.dma_semaphore, #tpu.memory_space<semaphore_mem>>)
      %dma_wait3A = arith.constant 0 : i32
      %dma_wait3A_41 = tpu.memref_slice %arg7[%run_scoped3A_34, %add3A, %dma_wait3A] : memref<10x32x8448xf32, #tpu.memory_space<hbm>> -> memref<1x1x8448xf32, #tpu.memory_space<hbm>>
      %dma_wait3A_42 = tpu.memref_squeeze %dma_wait3A_41 : memref<1x1x8448xf32, #tpu.memory_space<hbm>> -> memref<8448xf32, #tpu.memory_space<hbm>>
      %dma_wait3A_43 = arith.constant 0 : i32
      %dma_wait3A_44 = tpu.memref_slice %arg7[%run_scoped3A_34, %add3A, %dma_wait3A_43] : memref<10x32x8448xf32, #tpu.memory_space<hbm>> -> memref<1x1x8448xf32, #tpu.memory_space<hbm>>
      %dma_wait3A_45 = tpu.memref_squeeze %dma_wait3A_44 : memref<1x1x8448xf32, #tpu.memory_space<hbm>> -> memref<8448xf32, #tpu.memory_space<hbm>>
      tpu.wait_dma2 semaphore(%run_scoped3A_35 : memref<!tpu.dma_semaphore, #tpu.memory_space<semaphore_mem>>) src(%arg22 : memref<8448xf32, #tpu.memory_space<vmem>>) dst(%dma_wait3A_45 : memref<8448xf32, #tpu.memory_space<hbm>>)
      tpu.yield
    }) : () -> ()
    return
  }
}

module attributes {stable_mosaic.version = 14 : i64} {
  func.func @_enc_body(%arg0: memref<16x512xf32, #tpu.memory_space<vmem>>, %arg1: memref<64x16xf32, #tpu.memory_space<vmem>>, %arg2: memref<64x512xf32, #tpu.memory_space<vmem>>) attributes {dimension_semantics = [], scalar_prefetch = 0 : i64, scratch_operands = 0 : i64, tpu.core_type = #tpu.core_type<tc>} {
    %get3A = arith.constant 0 : index
    %get3A_0 = arith.constant 0 : index
    %get3A_1 = vector.load %arg1[%get3A, %get3A_0] : memref<64x16xf32, #tpu.memory_space<vmem>>, vector<64x16xf32>
    %get3A_2 = arith.constant 0 : index
    %get3A_3 = arith.constant 0 : index
    %get3A_4 = vector.load %arg0[%get3A_2, %get3A_3] : memref<16x512xf32, #tpu.memory_space<vmem>>, vector<16x512xf32>
    %dot_general3A = arith.constant dense<0.000000e+00> : vector<64x512xf32>
    %dot_general3A_5 = tpu.matmul %get3A_1, %get3A_4, %dot_general3A {dimension_numbers = #tpu.dot_dimension_numbers<[1], [0], [0], [1], [0, 0, 1, 1], [], []>, transpose_lhs_hint = false} : vector<64x16xf32>, vector<16x512xf32>, vector<64x512xf32> -> vector<64x512xf32>
    %max3A = arith.constant 0.000000e+00 : f32
    %max3A_6 = vector.broadcast %max3A : f32 to vector<64x512xf32>
    %max3A_7 = arith.maximumf %dot_general3A_5, %max3A_6 : vector<64x512xf32>
    %swap3A = arith.constant 0 : index
    %swap3A_8 = arith.constant 0 : index
    %swap3A_9 = vector.load %arg2[%swap3A, %swap3A_8] : memref<64x512xf32, #tpu.memory_space<vmem>>, vector<64x512xf32>
    tpu.vector_store %arg2[%swap3A, %swap3A_8], %max3A_7 {strides = array<i32>} : memref<64x512xf32, #tpu.memory_space<vmem>>, vector<64x512xf32>,
    return
  }
}

module attributes {stable_mosaic.version = 14 : i64} {
  func.func @_t1_body(%arg0: memref<10x512x528xf32, #tpu.memory_space<vmem>>, %arg1: memref<10x528xf32, #tpu.memory_space<vmem>>) attributes {dimension_semantics = [], scalar_prefetch = 0 : i64, scratch_operands = 0 : i64, tpu.core_type = #tpu.core_type<tc>} {
    %get3A = arith.constant 0 : index
    %get3A_0 = arith.constant 0 : index
    %get3A_1 = arith.constant 0 : index
    %get3A_2 = vector.load %arg0[%get3A, %get3A_0, %get3A_1] : memref<10x512x528xf32, #tpu.memory_space<vmem>>, vector<1x512x528xf32>
    %get3A_3 = vector.shape_cast %get3A_2 : vector<1x512x528xf32> to vector<512x528xf32>
    %reduce_sum3A = arith.constant dense<0.000000e+00> : vector<528xf32>
    %reduce_sum3A_4 = vector.multi_reduction <add>, %get3A_3, %reduce_sum3A [0] : vector<512x528xf32> to vector<528xf32>
    %get3A_5 = arith.constant 1 : index
    %get3A_6 = arith.constant 0 : index
    %get3A_7 = arith.constant 0 : index
    %get3A_8 = vector.load %arg0[%get3A_5, %get3A_6, %get3A_7] : memref<10x512x528xf32, #tpu.memory_space<vmem>>, vector<1x512x528xf32>
    %get3A_9 = vector.shape_cast %get3A_8 : vector<1x512x528xf32> to vector<512x528xf32>
    %reduce_sum3A_10 = arith.constant dense<0.000000e+00> : vector<528xf32>
    %reduce_sum3A_11 = vector.multi_reduction <add>, %get3A_9, %reduce_sum3A_10 [0] : vector<512x528xf32> to vector<528xf32>
    %get3A_12 = arith.constant 2 : index
    %get3A_13 = arith.constant 0 : index
    %get3A_14 = arith.constant 0 : index
    %get3A_15 = vector.load %arg0[%get3A_12, %get3A_13, %get3A_14] : memref<10x512x528xf32, #tpu.memory_space<vmem>>, vector<1x512x528xf32>
    %get3A_16 = vector.shape_cast %get3A_15 : vector<1x512x528xf32> to vector<512x528xf32>
    %reduce_sum3A_17 = arith.constant dense<0.000000e+00> : vector<528xf32>
    %reduce_sum3A_18 = vector.multi_reduction <add>, %get3A_16, %reduce_sum3A_17 [0] : vector<512x528xf32> to vector<528xf32>
    %get3A_19 = arith.constant 3 : index
    %get3A_20 = arith.constant 0 : index
    %get3A_21 = arith.constant 0 : index
    %get3A_22 = vector.load %arg0[%get3A_19, %get3A_20, %get3A_21] : memref<10x512x528xf32, #tpu.memory_space<vmem>>, vector<1x512x528xf32>
    %get3A_23 = vector.shape_cast %get3A_22 : vector<1x512x528xf32> to vector<512x528xf32>
    %reduce_sum3A_24 = arith.constant dense<0.000000e+00> : vector<528xf32>
    %reduce_sum3A_25 = vector.multi_reduction <add>, %get3A_23, %reduce_sum3A_24 [0] : vector<512x528xf32> to vector<528xf32>
    %get3A_26 = arith.constant 4 : index
    %get3A_27 = arith.constant 0 : index
    %get3A_28 = arith.constant 0 : index
    %get3A_29 = vector.load %arg0[%get3A_26, %get3A_27, %get3A_28] : memref<10x512x528xf32, #tpu.memory_space<vmem>>, vector<1x512x528xf32>
    %get3A_30 = vector.shape_cast %get3A_29 : vector<1x512x528xf32> to vector<512x528xf32>
    %reduce_sum3A_31 = arith.constant dense<0.000000e+00> : vector<528xf32>
    %reduce_sum3A_32 = vector.multi_reduction <add>, %get3A_30, %reduce_sum3A_31 [0] : vector<512x528xf32> to vector<528xf32>
    %get3A_33 = arith.constant 5 : index
    %get3A_34 = arith.constant 0 : index
    %get3A_35 = arith.constant 0 : index
    %get3A_36 = vector.load %arg0[%get3A_33, %get3A_34, %get3A_35] : memref<10x512x528xf32, #tpu.memory_space<vmem>>, vector<1x512x528xf32>
    %get3A_37 = vector.shape_cast %get3A_36 : vector<1x512x528xf32> to vector<512x528xf32>
    %reduce_sum3A_38 = arith.constant dense<0.000000e+00> : vector<528xf32>
    %reduce_sum3A_39 = vector.multi_reduction <add>, %get3A_37, %reduce_sum3A_38 [0] : vector<512x528xf32> to vector<528xf32>
    %get3A_40 = arith.constant 6 : index
    %get3A_41 = arith.constant 0 : index
    %get3A_42 = arith.constant 0 : index
    %get3A_43 = vector.load %arg0[%get3A_40, %get3A_41, %get3A_42] : memref<10x512x528xf32, #tpu.memory_space<vmem>>, vector<1x512x528xf32>
    %get3A_44 = vector.shape_cast %get3A_43 : vector<1x512x528xf32> to vector<512x528xf32>
    %reduce_sum3A_45 = arith.constant dense<0.000000e+00> : vector<528xf32>
    %reduce_sum3A_46 = vector.multi_reduction <add>, %get3A_44, %reduce_sum3A_45 [0] : vector<512x528xf32> to vector<528xf32>
    %get3A_47 = arith.constant 7 : index
    %get3A_48 = arith.constant 0 : index
    %get3A_49 = arith.constant 0 : index
    %get3A_50 = vector.load %arg0[%get3A_47, %get3A_48, %get3A_49] : memref<10x512x528xf32, #tpu.memory_space<vmem>>, vector<1x512x528xf32>
    %get3A_51 = vector.shape_cast %get3A_50 : vector<1x512x528xf32> to vector<512x528xf32>
    %reduce_sum3A_52 = arith.constant dense<0.000000e+00> : vector<528xf32>
    %reduce_sum3A_53 = vector.multi_reduction <add>, %get3A_51, %reduce_sum3A_52 [0] : vector<512x528xf32> to vector<528xf32>
    %get3A_54 = arith.constant 8 : index
    %get3A_55 = arith.constant 0 : index
    %get3A_56 = arith.constant 0 : index
    %get3A_57 = vector.load %arg0[%get3A_54, %get3A_55, %get3A_56] : memref<10x512x528xf32, #tpu.memory_space<vmem>>, vector<1x512x528xf32>
    %get3A_58 = vector.shape_cast %get3A_57 : vector<1x512x528xf32> to vector<512x528xf32>
    %reduce_max3A = arith.constant dense<0xFF800000> : vector<528xf32>
    %reduce_max3A_59 = vector.multi_reduction <maximumf>, %get3A_58, %reduce_max3A [0] : vector<512x528xf32> to vector<528xf32>
    %get3A_60 = arith.constant 9 : index
    %get3A_61 = arith.constant 0 : index
    %get3A_62 = arith.constant 0 : index
    %get3A_63 = vector.load %arg0[%get3A_60, %get3A_61, %get3A_62] : memref<10x512x528xf32, #tpu.memory_space<vmem>>, vector<1x512x528xf32>
    %get3A_64 = vector.shape_cast %get3A_63 : vector<1x512x528xf32> to vector<512x528xf32>
    %reduce_min3A = arith.constant dense<0x7F800000> : vector<528xf32>
    %reduce_min3A_65 = vector.multi_reduction <minimumf>, %get3A_64, %reduce_min3A [0] : vector<512x528xf32> to vector<528xf32>
    %max3A = arith.constant 1.000000e+00 : f32
    %max3A_66 = vector.broadcast %max3A : f32 to vector<528xf32>
    %max3A_67 = arith.maximumf %reduce_sum3A_4, %max3A_66 : vector<528xf32>
    %div3A = arith.constant 1.000000e+00 : f32
    %div3A_68 = vector.broadcast %div3A : f32 to vector<528xf32>
    %div3A_69 = arith.divf %div3A_68, %max3A_67 : vector<528xf32>
    %mul3A = arith.mulf %reduce_sum3A_11, %div3A_69 : vector<528xf32>
    %mul3A_70 = arith.mulf %reduce_sum3A_18, %div3A_69 : vector<528xf32>
    %mul3A_71 = arith.mulf %reduce_sum3A_25, %div3A_69 : vector<528xf32>
    %mul3A_72 = arith.constant 2.000000e+00 : f32
    %mul3A_73 = vector.broadcast %mul3A_72 : f32 to vector<528xf32>
    %mul3A_74 = arith.mulf %mul3A_73, %mul3A : vector<528xf32>
    %mul3A_75 = arith.mulf %mul3A_74, %reduce_sum3A_11 : vector<528xf32>
    %sub3A = arith.subf %reduce_sum3A_32, %mul3A_75 : vector<528xf32>
    %mul3A_76 = arith.mulf %reduce_sum3A_4, %mul3A : vector<528xf32>
    %mul3A_77 = arith.mulf %mul3A_76, %mul3A : vector<528xf32>
    %add3A = arith.addf %sub3A, %mul3A_77 : vector<528xf32>
    %mul3A_78 = arith.mulf %add3A, %div3A_69 : vector<528xf32>
    %mul3A_79 = arith.constant 2.000000e+00 : f32
    %mul3A_80 = vector.broadcast %mul3A_79 : f32 to vector<528xf32>
    %mul3A_81 = arith.mulf %mul3A_80, %mul3A_70 : vector<528xf32>
    %mul3A_82 = arith.mulf %mul3A_81, %reduce_sum3A_18 : vector<528xf32>
    %sub3A_83 = arith.subf %reduce_sum3A_39, %mul3A_82 : vector<528xf32>
    %mul3A_84 = arith.mulf %reduce_sum3A_4, %mul3A_70 : vector<528xf32>
    %mul3A_85 = arith.mulf %mul3A_84, %mul3A_70 : vector<528xf32>
    %add3A_86 = arith.addf %sub3A_83, %mul3A_85 : vector<528xf32>
    %mul3A_87 = arith.mulf %add3A_86, %div3A_69 : vector<528xf32>
    %mul3A_88 = arith.constant 2.000000e+00 : f32
    %mul3A_89 = vector.broadcast %mul3A_88 : f32 to vector<528xf32>
    %mul3A_90 = arith.mulf %mul3A_89, %mul3A_71 : vector<528xf32>
    %mul3A_91 = arith.mulf %mul3A_90, %reduce_sum3A_25 : vector<528xf32>
    %sub3A_92 = arith.subf %reduce_sum3A_46, %mul3A_91 : vector<528xf32>
    %mul3A_93 = arith.mulf %reduce_sum3A_4, %mul3A_71 : vector<528xf32>
    %mul3A_94 = arith.mulf %mul3A_93, %mul3A_71 : vector<528xf32>
    %add3A_95 = arith.addf %sub3A_92, %mul3A_94 : vector<528xf32>
    %mul3A_96 = arith.mulf %add3A_95, %div3A_69 : vector<528xf32>
    %mul3A_97 = arith.mulf %reduce_sum3A_53, %div3A_69 : vector<528xf32>
    %log1p3A = math.log1p %reduce_sum3A_4 : vector<528xf32>
    %stack3A = vector.shape_cast %mul3A : vector<528xf32> to vector<1x528xf32>
    %stack3A_98 = vector.shape_cast %mul3A_70 : vector<528xf32> to vector<1x528xf32>
    %stack3A_99 = vector.shape_cast %mul3A_71 : vector<528xf32> to vector<1x528xf32>
    %stack3A_100 = vector.shape_cast %mul3A_78 : vector<528xf32> to vector<1x528xf32>
    %stack3A_101 = vector.shape_cast %mul3A_87 : vector<528xf32> to vector<1x528xf32>
    %stack3A_102 = vector.shape_cast %mul3A_96 : vector<528xf32> to vector<1x528xf32>
    %stack3A_103 = vector.shape_cast %mul3A_97 : vector<528xf32> to vector<1x528xf32>
    %stack3A_104 = vector.shape_cast %log1p3A : vector<528xf32> to vector<1x528xf32>
    %stack3A_105 = vector.shape_cast %reduce_max3A_59 : vector<528xf32> to vector<1x528xf32>
    %stack3A_106 = vector.shape_cast %reduce_min3A_65 : vector<528xf32> to vector<1x528xf32>
    %stack3A_107 = tpu.concatenate %stack3A, %stack3A_98, %stack3A_99, %stack3A_100, %stack3A_101, %stack3A_102, %stack3A_103, %stack3A_104, %stack3A_105, %stack3A_106 in 0 : vector<1x528xf32>, vector<1x528xf32>, vector<1x528xf32>, vector<1x528xf32>, vector<1x528xf32>, vector<1x528xf32>, vector<1x528xf32>, vector<1x528xf32>, vector<1x528xf32>, vector<1x528xf32> -> vector<10x528xf32>
    %swap3A = arith.constant 0 : index
    %swap3A_108 = arith.constant 0 : index
    %swap3A_109 = vector.load %arg1[%swap3A, %swap3A_108] : memref<10x528xf32, #tpu.memory_space<vmem>>, vector<10x528xf32>
    tpu.vector_store %arg1[%swap3A, %swap3A_108], %stack3A_107 {strides = array<i32>} : memref<10x528xf32, #tpu.memory_space<vmem>>, vector<10x528xf32>,
    return
  }
}

module attributes {stable_mosaic.version = 14 : i64} {
  func.func @_round_body(%arg0: i32, %arg1: memref<64x512xf32, #tpu.memory_space<vmem>>, %arg2: memref<64x128xf32, #tpu.memory_space<vmem>>, %arg3: memref<8x512xf32, #tpu.memory_space<vmem>>, %arg4: memref<8x128xf32, #tpu.memory_space<vmem>>, %arg5: memref<128x8xf32, #tpu.memory_space<vmem>>, %arg6: memref<64x8xf32, #tpu.memory_space<vmem>>, %arg7: memref<64x1xf32, #tpu.memory_space<vmem>>, %arg8: memref<64x64xf32, #tpu.memory_space<vmem>>, %arg9: memref<64x64xf32, #tpu.memory_space<vmem>>, %arg10: memref<64x64xf32, #tpu.memory_space<vmem>>, %arg11: memref<64x64xf32, #tpu.memory_space<vmem>>, %arg12: memref<64x64xf32, #tpu.memory_space<vmem>>, %arg13: memref<64x128xf32, #tpu.memory_space<vmem>>) attributes {dimension_semantics = [#tpu.dimension_semantics<arbitrary>], iteration_bounds = array<i64: 4>, scalar_prefetch = 0 : i64, scratch_operands = 0 : i64, tpu.core_type = #tpu.core_type<tc>, window_params = [{pipeline_mode = #tpu.pipeline_mode<synchronous>, transform_indices = @transform_0, window_bounds = array<i64: 64, 512>}, {transform_indices = @transform_1, window_bounds = array<i64: 64, 128>}, {pipeline_mode = #tpu.pipeline_mode<synchronous>, transform_indices = @transform_2, window_bounds = array<i64: 8, 512>}, {transform_indices = @transform_3, window_bounds = array<i64: 8, 128>}, {transform_indices = @transform_4, window_bounds = array<i64: 128, 8>}, {pipeline_mode = #tpu.pipeline_mode<synchronous>, transform_indices = @transform_5, window_bounds = array<i64: 64, 8>}, {pipeline_mode = #tpu.pipeline_mode<synchronous>, transform_indices = @transform_6, window_bounds = array<i64: 64, 1>}, {pipeline_mode = #tpu.pipeline_mode<synchronous>, transform_indices = @transform_7, window_bounds = array<i64: 64, 64>}, {pipeline_mode = #tpu.pipeline_mode<synchronous>, transform_indices = @transform_8, window_bounds = array<i64: 64, 64>}, {pipeline_mode = #tpu.pipeline_mode<synchronous>, transform_indices = @transform_9, window_bounds = array<i64: 64, 64>}, {pipeline_mode = #tpu.pipeline_mode<synchronous>, transform_indices = @transform_10, window_bounds = array<i64: 64, 64>}, {pipeline_mode = #tpu.pipeline_mode<synchronous>, transform_indices = @transform_11, window_bounds = array<i64: 64, 64>}, {transform_indices = @transform_12, window_bounds = array<i64: 64, 128>}]} {
    %get3A = arith.constant 0 : index
    %get3A_0 = arith.constant 0 : index
    %get3A_1 = vector.load %arg1[%get3A, %get3A_0] : memref<64x512xf32, #tpu.memory_space<vmem>>, vector<64x512xf32>
    %get3A_2 = arith.constant 0 : index
    %get3A_3 = arith.constant 0 : index
    %get3A_4 = vector.load %arg2[%get3A_2, %get3A_3] : memref<64x128xf32, #tpu.memory_space<vmem>>, vector<64x128xf32>
    %get3A_5 = arith.constant 0 : index
    %get3A_6 = arith.constant 0 : index
    %get3A_7 = vector.load %arg3[%get3A_5, %get3A_6] : memref<8x512xf32, #tpu.memory_space<vmem>>, vector<8x512xf32>
    %get3A_8 = arith.constant 0 : index
    %get3A_9 = arith.constant 0 : index
    %get3A_10 = vector.load %arg4[%get3A_8, %get3A_9] : memref<8x128xf32, #tpu.memory_space<vmem>>, vector<8x128xf32>
    %get3A_11 = arith.constant 0 : index
    %get3A_12 = arith.constant 0 : index
    %get3A_13 = vector.load %arg5[%get3A_11, %get3A_12] : memref<128x8xf32, #tpu.memory_space<vmem>>, vector<128x8xf32>
    %get3A_14 = arith.constant 0 : index
    %get3A_15 = arith.constant 0 : index
    %get3A_16 = vector.load %arg8[%get3A_14, %get3A_15] : memref<64x64xf32, #tpu.memory_space<vmem>>, vector<64x64xf32>
    %dot_general3A = arith.constant dense<0.000000e+00> : vector<64x512xf32>
    %dot_general3A_17 = tpu.matmul %get3A_16, %get3A_1, %dot_general3A {dimension_numbers = #tpu.dot_dimension_numbers<[1], [0], [0], [1], [0, 0, 1, 1], [], []>, transpose_lhs_hint = false} : vector<64x64xf32>, vector<64x512xf32>, vector<64x512xf32> -> vector<64x512xf32>
    %get3A_18 = arith.constant 0 : index
    %get3A_19 = arith.constant 0 : index
    %get3A_20 = vector.load %arg9[%get3A_18, %get3A_19] : memref<64x64xf32, #tpu.memory_space<vmem>>, vector<64x64xf32>
    %dot_general3A_21 = arith.constant dense<0.000000e+00> : vector<64x128xf32>
    %dot_general3A_22 = tpu.matmul %get3A_20, %get3A_4, %dot_general3A_21 {dimension_numbers = #tpu.dot_dimension_numbers<[1], [0], [0], [1], [0, 0, 1, 1], [], []>, transpose_lhs_hint = false} : vector<64x64xf32>, vector<64x128xf32>, vector<64x128xf32> -> vector<64x128xf32>
    %get3A_23 = arith.constant 0 : index
    %get3A_24 = arith.constant 0 : index
    %get3A_25 = vector.load %arg8[%get3A_23, %get3A_24] : memref<64x64xf32, #tpu.memory_space<vmem>>, vector<64x64xf32>
    %dot_general3A_26 = arith.constant dense<0.000000e+00> : vector<64x128xf32>
    %dot_general3A_27 = tpu.matmul %get3A_25, %get3A_4, %dot_general3A_26 {dimension_numbers = #tpu.dot_dimension_numbers<[1], [0], [0], [1], [0, 0, 1, 1], [], []>, transpose_lhs_hint = false} : vector<64x64xf32>, vector<64x128xf32>, vector<64x128xf32> -> vector<64x128xf32>
    %slice3A = vector.extract_strided_slice %get3A_13 {offsets = [0, 0], sizes = [128, 1], strides = [1, 1]} : vector<128x8xf32> to vector<128x1xf32>
    %slice3A_28 = vector.extract_strided_slice %get3A_7 {offsets = [0, 0], sizes = [1, 512], strides = [1, 1]} : vector<8x512xf32> to vector<1x512xf32>
    %sub3A = vector.broadcast %slice3A : vector<128x1xf32> to vector<128x512xf32>
    %sub3A_29 = vector.broadcast %slice3A_28 : vector<1x512xf32> to vector<128x512xf32>
    %sub3A_30 = arith.subf %sub3A, %sub3A_29 : vector<128x512xf32>
    %slice3A_31 = vector.extract_strided_slice %get3A_13 {offsets = [0, 1], sizes = [128, 1], strides = [1, 1]} : vector<128x8xf32> to vector<128x1xf32>
    %slice3A_32 = vector.extract_strided_slice %get3A_7 {offsets = [1, 0], sizes = [1, 512], strides = [1, 1]} : vector<8x512xf32> to vector<1x512xf32>
    %sub3A_33 = vector.broadcast %slice3A_31 : vector<128x1xf32> to vector<128x512xf32>
    %sub3A_34 = vector.broadcast %slice3A_32 : vector<1x512xf32> to vector<128x512xf32>
    %sub3A_35 = arith.subf %sub3A_33, %sub3A_34 : vector<128x512xf32>
    %slice3A_36 = vector.extract_strided_slice %get3A_13 {offsets = [0, 2], sizes = [128, 1], strides = [1, 1]} : vector<128x8xf32> to vector<128x1xf32>
    %slice3A_37 = vector.extract_strided_slice %get3A_7 {offsets = [2, 0], sizes = [1, 512], strides = [1, 1]} : vector<8x512xf32> to vector<1x512xf32>
    %sub3A_38 = vector.broadcast %slice3A_36 : vector<128x1xf32> to vector<128x512xf32>
    %sub3A_39 = vector.broadcast %slice3A_37 : vector<1x512xf32> to vector<128x512xf32>
    %sub3A_40 = arith.subf %sub3A_38, %sub3A_39 : vector<128x512xf32>
    %mul3A = arith.mulf %sub3A_30, %sub3A_30 : vector<128x512xf32>
    %mul3A_41 = arith.mulf %sub3A_35, %sub3A_35 : vector<128x512xf32>
    %add3A = arith.addf %mul3A, %mul3A_41 : vector<128x512xf32>
    %mul3A_42 = arith.mulf %sub3A_40, %sub3A_40 : vector<128x512xf32>
    %add3A_43 = arith.addf %add3A, %mul3A_42 : vector<128x512xf32>
    %sqrt3A = math.sqrt %add3A_43 : vector<128x512xf32>
    %get3A_44 = arith.constant 0 : index
    %get3A_45 = arith.constant 0 : index
    %get3A_46 = vector.load %arg6[%get3A_44, %get3A_45] : memref<64x8xf32, #tpu.memory_space<vmem>>, vector<64x8xf32>
    %dot_general3A_47 = arith.constant dense<0.000000e+00> : vector<64x512xf32>
    %dot_general3A_48 = tpu.matmul %get3A_46, %get3A_7, %dot_general3A_47 {dimension_numbers = #tpu.dot_dimension_numbers<[1], [0], [0], [1], [0, 0, 1, 1], [], []>, transpose_lhs_hint = false} : vector<64x8xf32>, vector<8x512xf32>, vector<64x512xf32> -> vector<64x512xf32>
    %get3A_49 = arith.constant 0 : index
    %get3A_50 = arith.constant 0 : index
    %get3A_51 = vector.load %arg6[%get3A_49, %get3A_50] : memref<64x8xf32, #tpu.memory_space<vmem>>, vector<64x8xf32>
    %dot_general3A_52 = arith.constant dense<0.000000e+00> : vector<64x128xf32>
    %dot_general3A_53 = tpu.matmul %get3A_51, %get3A_10, %dot_general3A_52 {dimension_numbers = #tpu.dot_dimension_numbers<[1], [0], [0], [1], [0, 0, 1, 1], [], []>, transpose_lhs_hint = false} : vector<64x8xf32>, vector<8x128xf32>, vector<64x128xf32> -> vector<64x128xf32>
    %reshape3A = vector.shape_cast %dot_general3A_53 : vector<64x128xf32> to vector<64x128x1xf32>
    %reshape3A_54 = vector.shape_cast %dot_general3A_48 : vector<64x512xf32> to vector<64x1x512xf32>
    %sub3A_55 = vector.broadcast %reshape3A : vector<64x128x1xf32> to vector<64x128x512xf32>
    %sub3A_56 = vector.broadcast %reshape3A_54 : vector<64x1x512xf32> to vector<64x128x512xf32>
    %sub3A_57 = arith.subf %sub3A_55, %sub3A_56 : vector<64x128x512xf32>
    %reshape3A_58 = vector.shape_cast %sqrt3A : vector<128x512xf32> to vector<1x128x512xf32>
    %get3A_59 = arith.constant 0 : index
    %get3A_60 = arith.constant 0 : index
    %get3A_61 = vector.load %arg7[%get3A_59, %get3A_60] : memref<64x1xf32, #tpu.memory_space<vmem>>, vector<64x1xf32>
    %reshape3A_62 = vector.shape_cast %get3A_61 : vector<64x1xf32> to vector<64x1x1xf32>
    %mul3A_63 = vector.broadcast %reshape3A_58 : vector<1x128x512xf32> to vector<64x128x512xf32>
    %mul3A_64 = vector.broadcast %reshape3A_62 : vector<64x1x1xf32> to vector<64x128x512xf32>
    %mul3A_65 = arith.mulf %mul3A_63, %mul3A_64 : vector<64x128x512xf32>
    %add3A_66 = arith.addf %sub3A_57, %mul3A_65 : vector<64x128x512xf32>
    %max3A = arith.constant 0.000000e+00 : f32
    %max3A_67 = vector.broadcast %max3A : f32 to vector<64x128x512xf32>
    %max3A_68 = arith.maximumf %add3A_66, %max3A_67 : vector<64x128x512xf32>
    %get3A_69 = arith.constant 0 : index
    %get3A_70 = arith.constant 0 : index
    %get3A_71 = vector.load %arg10[%get3A_69, %get3A_70] : memref<64x64xf32, #tpu.memory_space<vmem>>, vector<64x64xf32>
    %reshape3A_72 = vector.shape_cast %max3A_68 : vector<64x128x512xf32> to vector<64x65536xf32>
    %dot_general3A_73 = arith.constant dense<0.000000e+00> : vector<64x65536xf32>
    %dot_general3A_74 = tpu.matmul %get3A_71, %reshape3A_72, %dot_general3A_73 {dimension_numbers = #tpu.dot_dimension_numbers<[1], [0], [0], [1], [0, 0, 1, 1], [], []>, transpose_lhs_hint = false} : vector<64x64xf32>, vector<64x65536xf32>, vector<64x65536xf32> -> vector<64x65536xf32>
    %reshape3A_75 = vector.shape_cast %dot_general3A_74 : vector<64x65536xf32> to vector<64x128x512xf32>
    %reshape3A_76 = vector.shape_cast %dot_general3A_17 : vector<64x512xf32> to vector<64x1x512xf32>
    %add3A_77 = vector.broadcast %reshape3A_76 : vector<64x1x512xf32> to vector<64x128x512xf32>
    %add3A_78 = arith.addf %reshape3A_75, %add3A_77 : vector<64x128x512xf32>
    %reshape3A_79 = vector.shape_cast %dot_general3A_22 : vector<64x128xf32> to vector<64x128x1xf32>
    %add3A_80 = vector.broadcast %reshape3A_79 : vector<64x128x1xf32> to vector<64x128x512xf32>
    %add3A_81 = arith.addf %add3A_78, %add3A_80 : vector<64x128x512xf32>
    %max3A_82 = arith.constant 0.000000e+00 : f32
    %max3A_83 = vector.broadcast %max3A_82 : f32 to vector<64x128x512xf32>
    %max3A_84 = arith.maximumf %add3A_81, %max3A_83 : vector<64x128x512xf32>
    %reduce_sum3A = arith.constant dense<0.000000e+00> : vector<64x128xf32>
    %reduce_sum3A_85 = vector.multi_reduction <add>, %max3A_84, %reduce_sum3A [2] : vector<64x128x512xf32> to vector<64x128xf32>
    %add3A_86 = arith.addf %dot_general3A_27, %dot_general3A_22 : vector<64x128xf32>
    %max3A_87 = arith.constant 0.000000e+00 : f32
    %max3A_88 = vector.broadcast %max3A_87 : f32 to vector<64x128xf32>
    %max3A_89 = arith.maximumf %add3A_86, %max3A_88 : vector<64x128xf32>
    %sub3A_90 = arith.subf %reduce_sum3A_85, %max3A_89 : vector<64x128xf32>
    %get3A_91 = arith.constant 0 : index
    %get3A_92 = arith.constant 0 : index
    %get3A_93 = vector.load %arg11[%get3A_91, %get3A_92] : memref<64x64xf32, #tpu.memory_space<vmem>>, vector<64x64xf32>
    %dot_general3A_94 = arith.constant dense<0.000000e+00> : vector<64x128xf32>
    %dot_general3A_95 = tpu.matmul %get3A_93, %get3A_4, %dot_general3A_94 {dimension_numbers = #tpu.dot_dimension_numbers<[1], [0], [0], [1], [0, 0, 1, 1], [], []>, transpose_lhs_hint = false} : vector<64x64xf32>, vector<64x128xf32>, vector<64x128xf32> -> vector<64x128xf32>
    %get3A_96 = arith.constant 0 : index
    %get3A_97 = arith.constant 0 : index
    %get3A_98 = vector.load %arg12[%get3A_96, %get3A_97] : memref<64x64xf32, #tpu.memory_space<vmem>>, vector<64x64xf32>
    %dot_general3A_99 = arith.constant dense<0.000000e+00> : vector<64x128xf32>
    %dot_general3A_100 = tpu.matmul %get3A_98, %sub3A_90, %dot_general3A_99 {dimension_numbers = #tpu.dot_dimension_numbers<[1], [0], [0], [1], [0, 0, 1, 1], [], []>, transpose_lhs_hint = false} : vector<64x64xf32>, vector<64x128xf32>, vector<64x128xf32> -> vector<64x128xf32>
    %add3A_101 = arith.addf %dot_general3A_95, %dot_general3A_100 : vector<64x128xf32>
    %max3A_102 = arith.constant 0.000000e+00 : f32
    %max3A_103 = vector.broadcast %max3A_102 : f32 to vector<64x128xf32>
    %max3A_104 = arith.maximumf %add3A_101, %max3A_103 : vector<64x128xf32>
    %swap3A = arith.constant 0 : index
    %swap3A_105 = arith.constant 0 : index
    %swap3A_106 = vector.load %arg13[%swap3A, %swap3A_105] : memref<64x128xf32, #tpu.memory_space<vmem>>, vector<64x128xf32>
    tpu.vector_store %arg13[%swap3A, %swap3A_105], %max3A_104 {strides = array<i32>} : memref<64x128xf32, #tpu.memory_space<vmem>>, vector<64x128xf32>,
    return
  }
  func.func @transform_0(%arg0: i32) -> (i32, i32) {
    %c0_i32 = arith.constant 0 : i32
    %c0_i32_0 = arith.constant 0 : i32
    %c0_i32_1 = arith.constant 0 : i32
    return %c0_i32, %c0_i32_0 : i32, i32
  }
  func.func @transform_1(%arg0: i32) -> (i32, i32) {
    %c0_i32 = arith.constant 0 : i32
    %c0_i32_0 = arith.constant 0 : i32
    return %c0_i32, %arg0 : i32, i32
  }
  func.func @transform_2(%arg0: i32) -> (i32, i32) {
    %c0_i32 = arith.constant 0 : i32
    %c0_i32_0 = arith.constant 0 : i32
    %c0_i32_1 = arith.constant 0 : i32
    return %c0_i32, %c0_i32_0 : i32, i32
  }
  func.func @transform_3(%arg0: i32) -> (i32, i32) {
    %c0_i32 = arith.constant 0 : i32
    %c0_i32_0 = arith.constant 0 : i32
    return %c0_i32, %arg0 : i32, i32
  }
  func.func @transform_4(%arg0: i32) -> (i32, i32) {
    %c0_i32 = arith.constant 0 : i32
    %c0_i32_0 = arith.constant 0 : i32
    return %arg0, %c0_i32 : i32, i32
  }
  func.func @transform_5(%arg0: i32) -> (i32, i32) {
    %c0_i32 = arith.constant 0 : i32
    %c0_i32_0 = arith.constant 0 : i32
    %c0_i32_1 = arith.constant 0 : i32
    return %c0_i32, %c0_i32_0 : i32, i32
  }
  func.func @transform_6(%arg0: i32) -> (i32, i32) {
    %c0_i32 = arith.constant 0 : i32
    %c0_i32_0 = arith.constant 0 : i32
    %c0_i32_1 = arith.constant 0 : i32
    return %c0_i32, %c0_i32_0 : i32, i32
  }
  func.func @transform_7(%arg0: i32) -> (i32, i32) {
    %c0_i32 = arith.constant 0 : i32
    %c0_i32_0 = arith.constant 0 : i32
    %c0_i32_1 = arith.constant 0 : i32
    return %c0_i32, %c0_i32_0 : i32, i32
  }
  func.func @transform_8(%arg0: i32) -> (i32, i32) {
    %c0_i32 = arith.constant 0 : i32
    %c0_i32_0 = arith.constant 0 : i32
    %c0_i32_1 = arith.constant 0 : i32
    return %c0_i32, %c0_i32_0 : i32, i32
  }
  func.func @transform_9(%arg0: i32) -> (i32, i32) {
    %c0_i32 = arith.constant 0 : i32
    %c0_i32_0 = arith.constant 0 : i32
    %c0_i32_1 = arith.constant 0 : i32
    return %c0_i32, %c0_i32_0 : i32, i32
  }
  func.func @transform_10(%arg0: i32) -> (i32, i32) {
    %c0_i32 = arith.constant 0 : i32
    %c0_i32_0 = arith.constant 0 : i32
    %c0_i32_1 = arith.constant 0 : i32
    return %c0_i32, %c0_i32_0 : i32, i32
  }
  func.func @transform_11(%arg0: i32) -> (i32, i32) {
    %c0_i32 = arith.constant 0 : i32
    %c0_i32_0 = arith.constant 0 : i32
    %c0_i32_1 = arith.constant 0 : i32
    return %c0_i32, %c0_i32_0 : i32, i32
  }
  func.func @transform_12(%arg0: i32) -> (i32, i32) {
    %c0_i32 = arith.constant 0 : i32
    %c0_i32_0 = arith.constant 0 : i32
    return %c0_i32, %arg0 : i32, i32
  }
}

module attributes {stable_mosaic.version = 14 : i64} {
  func.func @_final_body(%arg0: i32, %arg1: memref<64x512xf32, #tpu.memory_space<vmem>>, %arg2: memref<64x128xf32, #tpu.memory_space<vmem>>, %arg3: memref<128x64xf32, #tpu.memory_space<vmem>>, %arg4: memref<8x512xf32, #tpu.memory_space<vmem>>, %arg5: memref<8x128xf32, #tpu.memory_space<vmem>>, %arg6: memref<128x8xf32, #tpu.memory_space<vmem>>, %arg7: memref<64x8xf32, #tpu.memory_space<vmem>>, %arg8: memref<64x1xf32, #tpu.memory_space<vmem>>, %arg9: memref<64x64xf32, #tpu.memory_space<vmem>>, %arg10: memref<64x64xf32, #tpu.memory_space<vmem>>, %arg11: memref<64x64xf32, #tpu.memory_space<vmem>>, %arg12: memref<8x64xf32, #tpu.memory_space<vmem>>, %arg13: memref<8x64xf32, #tpu.memory_space<vmem>>, %arg14: memref<64x8xf32, #tpu.memory_space<vmem>>, %arg15: memref<8x512xf32, #tpu.memory_space<vmem>>, %arg16: memref<8x65536xf32, #tpu.memory_space<vmem>>) attributes {dimension_semantics = [#tpu.dimension_semantics<arbitrary>], iteration_bounds = array<i64: 4>, scalar_prefetch = 0 : i64, scratch_operands = 0 : i64, tpu.core_type = #tpu.core_type<tc>, window_params = [{pipeline_mode = #tpu.pipeline_mode<synchronous>, transform_indices = @transform_0, window_bounds = array<i64: 64, 512>}, {transform_indices = @transform_1, window_bounds = array<i64: 64, 128>}, {transform_indices = @transform_2, window_bounds = array<i64: 128, 64>}, {pipeline_mode = #tpu.pipeline_mode<synchronous>, transform_indices = @transform_3, window_bounds = array<i64: 8, 512>}, {transform_indices = @transform_4, window_bounds = array<i64: 8, 128>}, {transform_indices = @transform_5, window_bounds = array<i64: 128, 8>}, {pipeline_mode = #tpu.pipeline_mode<synchronous>, transform_indices = @transform_6, window_bounds = array<i64: 64, 8>}, {pipeline_mode = #tpu.pipeline_mode<synchronous>, transform_indices = @transform_7, window_bounds = array<i64: 64, 1>}, {pipeline_mode = #tpu.pipeline_mode<synchronous>, transform_indices = @transform_8, window_bounds = array<i64: 64, 64>}, {pipeline_mode = #tpu.pipeline_mode<synchronous>, transform_indices = @transform_9, window_bounds = array<i64: 64, 64>}, {pipeline_mode = #tpu.pipeline_mode<synchronous>, transform_indices = @transform_10, window_bounds = array<i64: 64, 64>}, {pipeline_mode = #tpu.pipeline_mode<synchronous>, transform_indices = @transform_11, window_bounds = array<i64: 8, 64>}, {pipeline_mode = #tpu.pipeline_mode<synchronous>, transform_indices = @transform_12, window_bounds = array<i64: 8, 64>}, {pipeline_mode = #tpu.pipeline_mode<synchronous>, transform_indices = @transform_13, window_bounds = array<i64: 64, 8>}, {pipeline_mode = #tpu.pipeline_mode<synchronous>, transform_indices = @transform_14, window_bounds = array<i64: 8, 512>}, {transform_indices = @transform_15, window_bounds = array<i64: 8, 65536>}]} {
    %get3A = arith.constant 0 : index
    %get3A_0 = arith.constant 0 : index
    %get3A_1 = vector.load %arg1[%get3A, %get3A_0] : memref<64x512xf32, #tpu.memory_space<vmem>>, vector<64x512xf32>
    %get3A_2 = arith.constant 0 : index
    %get3A_3 = arith.constant 0 : index
    %get3A_4 = vector.load %arg2[%get3A_2, %get3A_3] : memref<64x128xf32, #tpu.memory_space<vmem>>, vector<64x128xf32>
    %get3A_5 = arith.constant 0 : index
    %get3A_6 = arith.constant 0 : index
    %get3A_7 = vector.load %arg3[%get3A_5, %get3A_6] : memref<128x64xf32, #tpu.memory_space<vmem>>, vector<128x64xf32>
    %get3A_8 = arith.constant 0 : index
    %get3A_9 = arith.constant 0 : index
    %get3A_10 = vector.load %arg4[%get3A_8, %get3A_9] : memref<8x512xf32, #tpu.memory_space<vmem>>, vector<8x512xf32>
    %get3A_11 = arith.constant 0 : index
    %get3A_12 = arith.constant 0 : index
    %get3A_13 = vector.load %arg5[%get3A_11, %get3A_12] : memref<8x128xf32, #tpu.memory_space<vmem>>, vector<8x128xf32>
    %get3A_14 = arith.constant 0 : index
    %get3A_15 = arith.constant 0 : index
    %get3A_16 = vector.load %arg6[%get3A_14, %get3A_15] : memref<128x8xf32, #tpu.memory_space<vmem>>, vector<128x8xf32>
    %get3A_17 = arith.constant 0 : index
    %get3A_18 = arith.constant 0 : index
    %get3A_19 = vector.load %arg10[%get3A_17, %get3A_18] : memref<64x64xf32, #tpu.memory_space<vmem>>, vector<64x64xf32>
    %dot_general3A = arith.constant dense<0.000000e+00> : vector<64x512xf32>
    %dot_general3A_20 = tpu.matmul %get3A_19, %get3A_1, %dot_general3A {dimension_numbers = #tpu.dot_dimension_numbers<[1], [0], [0], [1], [0, 0, 1, 1], [], []>, transpose_lhs_hint = false} : vector<64x64xf32>, vector<64x512xf32>, vector<64x512xf32> -> vector<64x512xf32>
    %get3A_21 = arith.constant 0 : index
    %get3A_22 = arith.constant 0 : index
    %get3A_23 = vector.load %arg9[%get3A_21, %get3A_22] : memref<64x64xf32, #tpu.memory_space<vmem>>, vector<64x64xf32>
    %dot_general3A_24 = arith.constant dense<0.000000e+00> : vector<64x128xf32>
    %dot_general3A_25 = tpu.matmul %get3A_23, %get3A_4, %dot_general3A_24 {dimension_numbers = #tpu.dot_dimension_numbers<[1], [0], [0], [1], [0, 0, 1, 1], [], []>, transpose_lhs_hint = false} : vector<64x64xf32>, vector<64x128xf32>, vector<64x128xf32> -> vector<64x128xf32>
    %get3A_26 = arith.constant 0 : index
    %get3A_27 = arith.constant 0 : index
    %get3A_28 = vector.load %arg13[%get3A_26, %get3A_27] : memref<8x64xf32, #tpu.memory_space<vmem>>, vector<8x64xf32>
    %dot_general3A_29 = arith.constant dense<0.000000e+00> : vector<8x512xf32>
    %dot_general3A_30 = tpu.matmul %get3A_28, %get3A_1, %dot_general3A_29 {dimension_numbers = #tpu.dot_dimension_numbers<[1], [0], [0], [1], [0, 0, 1, 1], [], []>, transpose_lhs_hint = false} : vector<8x64xf32>, vector<64x512xf32>, vector<8x512xf32> -> vector<8x512xf32>
    %swap3A = arith.constant 0 : index
    %swap3A_31 = arith.constant 0 : index
    %swap3A_32 = vector.load %arg15[%swap3A, %swap3A_31] : memref<8x512xf32, #tpu.memory_space<vmem>>, vector<8x512xf32>
    tpu.vector_store %arg15[%swap3A, %swap3A_31], %dot_general3A_30 {strides = array<i32>} : memref<8x512xf32, #tpu.memory_space<vmem>>, vector<8x512xf32>,
    %slice3A = vector.extract_strided_slice %dot_general3A_30 {offsets = [1, 0], sizes = [1, 512], strides = [1, 1]} : vector<8x512xf32> to vector<1x512xf32>
    %slice3A_33 = vector.extract_strided_slice %dot_general3A_30 {offsets = [0, 0], sizes = [1, 512], strides = [1, 1]} : vector<8x512xf32> to vector<1x512xf32>
    %gt3A = arith.cmpf ogt, %slice3A, %slice3A_33 : vector<1x512xf32>
    %not3A = arith.constant dense<true> : vector<1x512xi1>
    %not3A_34 = arith.xori %gt3A, %not3A : vector<1x512xi1>
    %get3A_35 = arith.constant 0 : index
    %get3A_36 = arith.constant 0 : index
    %get3A_37 = vector.load %arg14[%get3A_35, %get3A_36] : memref<64x8xf32, #tpu.memory_space<vmem>>, vector<64x8xf32>
    %dot_general3A_38 = arith.constant dense<0.000000e+00> : vector<128x8xf32>
    %dot_general3A_39 = tpu.matmul %get3A_7, %get3A_37, %dot_general3A_38 {dimension_numbers = #tpu.dot_dimension_numbers<[1], [0], [0], [1], [0, 0, 1, 1], [], []>, transpose_lhs_hint = false} : vector<128x64xf32>, vector<64x8xf32>, vector<128x8xf32> -> vector<128x8xf32>
    %slice3A_40 = vector.extract_strided_slice %dot_general3A_39 {offsets = [0, 1], sizes = [128, 1], strides = [1, 1]} : vector<128x8xf32> to vector<128x1xf32>
    %slice3A_41 = vector.extract_strided_slice %dot_general3A_39 {offsets = [0, 0], sizes = [128, 1], strides = [1, 1]} : vector<128x8xf32> to vector<128x1xf32>
    %gt3A_42 = arith.cmpf ogt, %slice3A_40, %slice3A_41 : vector<128x1xf32>
    %get3A_43 = arith.constant 0 : index
    %get3A_44 = arith.constant 0 : index
    %get3A_45 = vector.load %arg7[%get3A_43, %get3A_44] : memref<64x8xf32, #tpu.memory_space<vmem>>, vector<64x8xf32>
    %dot_general3A_46 = arith.constant dense<0.000000e+00> : vector<64x512xf32>
    %dot_general3A_47 = tpu.matmul %get3A_45, %get3A_10, %dot_general3A_46 {dimension_numbers = #tpu.dot_dimension_numbers<[1], [0], [0], [1], [0, 0, 1, 1], [], []>, transpose_lhs_hint = false} : vector<64x8xf32>, vector<8x512xf32>, vector<64x512xf32> -> vector<64x512xf32>
    %get3A_48 = arith.constant 0 : index
    %get3A_49 = arith.constant 0 : index
    %get3A_50 = vector.load %arg7[%get3A_48, %get3A_49] : memref<64x8xf32, #tpu.memory_space<vmem>>, vector<64x8xf32>
    %dot_general3A_51 = arith.constant dense<0.000000e+00> : vector<64x128xf32>
    %dot_general3A_52 = tpu.matmul %get3A_50, %get3A_13, %dot_general3A_51 {dimension_numbers = #tpu.dot_dimension_numbers<[1], [0], [0], [1], [0, 0, 1, 1], [], []>, transpose_lhs_hint = false} : vector<64x8xf32>, vector<8x128xf32>, vector<64x128xf32> -> vector<64x128xf32>
    %slice3A_53 = vector.extract_strided_slice %get3A_16 {offsets = [0, 0], sizes = [128, 1], strides = [1, 1]} : vector<128x8xf32> to vector<128x1xf32>
    %slice3A_54 = vector.extract_strided_slice %get3A_10 {offsets = [0, 0], sizes = [1, 512], strides = [1, 1]} : vector<8x512xf32> to vector<1x512xf32>
    %sub3A = vector.broadcast %slice3A_53 : vector<128x1xf32> to vector<128x512xf32>
    %sub3A_55 = vector.broadcast %slice3A_54 : vector<1x512xf32> to vector<128x512xf32>
    %sub3A_56 = arith.subf %sub3A, %sub3A_55 : vector<128x512xf32>
    %slice3A_57 = vector.extract_strided_slice %get3A_16 {offsets = [0, 1], sizes = [128, 1], strides = [1, 1]} : vector<128x8xf32> to vector<128x1xf32>
    %slice3A_58 = vector.extract_strided_slice %get3A_10 {offsets = [1, 0], sizes = [1, 512], strides = [1, 1]} : vector<8x512xf32> to vector<1x512xf32>
    %sub3A_59 = vector.broadcast %slice3A_57 : vector<128x1xf32> to vector<128x512xf32>
    %sub3A_60 = vector.broadcast %slice3A_58 : vector<1x512xf32> to vector<128x512xf32>
    %sub3A_61 = arith.subf %sub3A_59, %sub3A_60 : vector<128x512xf32>
    %slice3A_62 = vector.extract_strided_slice %get3A_16 {offsets = [0, 2], sizes = [128, 1], strides = [1, 1]} : vector<128x8xf32> to vector<128x1xf32>
    %slice3A_63 = vector.extract_strided_slice %get3A_10 {offsets = [2, 0], sizes = [1, 512], strides = [1, 1]} : vector<8x512xf32> to vector<1x512xf32>
    %sub3A_64 = vector.broadcast %slice3A_62 : vector<128x1xf32> to vector<128x512xf32>
    %sub3A_65 = vector.broadcast %slice3A_63 : vector<1x512xf32> to vector<128x512xf32>
    %sub3A_66 = arith.subf %sub3A_64, %sub3A_65 : vector<128x512xf32>
    %mul3A = arith.mulf %sub3A_56, %sub3A_56 : vector<128x512xf32>
    %mul3A_67 = arith.mulf %sub3A_61, %sub3A_61 : vector<128x512xf32>
    %add3A = arith.addf %mul3A, %mul3A_67 : vector<128x512xf32>
    %mul3A_68 = arith.mulf %sub3A_66, %sub3A_66 : vector<128x512xf32>
    %add3A_69 = arith.addf %add3A, %mul3A_68 : vector<128x512xf32>
    %sqrt3A = math.sqrt %add3A_69 : vector<128x512xf32>
    %reshape3A = vector.shape_cast %dot_general3A_47 : vector<64x512xf32> to vector<64x1x512xf32>
    %reshape3A_70 = vector.shape_cast %dot_general3A_52 : vector<64x128xf32> to vector<64x128x1xf32>
    %sub3A_71 = vector.broadcast %reshape3A : vector<64x1x512xf32> to vector<64x128x512xf32>
    %sub3A_72 = vector.broadcast %reshape3A_70 : vector<64x128x1xf32> to vector<64x128x512xf32>
    %sub3A_73 = arith.subf %sub3A_71, %sub3A_72 : vector<64x128x512xf32>
    %reshape3A_74 = vector.shape_cast %sqrt3A : vector<128x512xf32> to vector<1x128x512xf32>
    %get3A_75 = arith.constant 0 : index
    %get3A_76 = arith.constant 0 : index
    %get3A_77 = vector.load %arg8[%get3A_75, %get3A_76] : memref<64x1xf32, #tpu.memory_space<vmem>>, vector<64x1xf32>
    %reshape3A_78 = vector.shape_cast %get3A_77 : vector<64x1xf32> to vector<64x1x1xf32>
    %mul3A_79 = vector.broadcast %reshape3A_74 : vector<1x128x512xf32> to vector<64x128x512xf32>
    %mul3A_80 = vector.broadcast %reshape3A_78 : vector<64x1x1xf32> to vector<64x128x512xf32>
    %mul3A_81 = arith.mulf %mul3A_79, %mul3A_80 : vector<64x128x512xf32>
    %add3A_82 = arith.addf %sub3A_73, %mul3A_81 : vector<64x128x512xf32>
    %max3A = arith.constant 0.000000e+00 : f32
    %max3A_83 = vector.broadcast %max3A : f32 to vector<64x128x512xf32>
    %max3A_84 = arith.maximumf %add3A_82, %max3A_83 : vector<64x128x512xf32>
    %get3A_85 = arith.constant 0 : index
    %get3A_86 = arith.constant 0 : index
    %get3A_87 = vector.load %arg11[%get3A_85, %get3A_86] : memref<64x64xf32, #tpu.memory_space<vmem>>, vector<64x64xf32>
    %reshape3A_88 = vector.shape_cast %max3A_84 : vector<64x128x512xf32> to vector<64x65536xf32>
    %dot_general3A_89 = arith.constant dense<0.000000e+00> : vector<64x65536xf32>
    %dot_general3A_90 = tpu.matmul %get3A_87, %reshape3A_88, %dot_general3A_89 {dimension_numbers = #tpu.dot_dimension_numbers<[1], [0], [0], [1], [0, 0, 1, 1], [], []>, transpose_lhs_hint = false} : vector<64x64xf32>, vector<64x65536xf32>, vector<64x65536xf32> -> vector<64x65536xf32>
    %reshape3A_91 = vector.shape_cast %dot_general3A_90 : vector<64x65536xf32> to vector<64x128x512xf32>
    %reshape3A_92 = vector.shape_cast %dot_general3A_25 : vector<64x128xf32> to vector<64x128x1xf32>
    %add3A_93 = vector.broadcast %reshape3A_92 : vector<64x128x1xf32> to vector<64x128x512xf32>
    %add3A_94 = arith.addf %reshape3A_91, %add3A_93 : vector<64x128x512xf32>
    %reshape3A_95 = vector.shape_cast %dot_general3A_20 : vector<64x512xf32> to vector<64x1x512xf32>
    %add3A_96 = vector.broadcast %reshape3A_95 : vector<64x1x512xf32> to vector<64x128x512xf32>
    %add3A_97 = arith.addf %add3A_94, %add3A_96 : vector<64x128x512xf32>
    %max3A_98 = arith.constant 0.000000e+00 : f32
    %max3A_99 = vector.broadcast %max3A_98 : f32 to vector<64x128x512xf32>
    %max3A_100 = arith.maximumf %add3A_97, %max3A_99 : vector<64x128x512xf32>
    %get3A_101 = arith.constant 0 : index
    %get3A_102 = arith.constant 0 : index
    %get3A_103 = vector.load %arg12[%get3A_101, %get3A_102] : memref<8x64xf32, #tpu.memory_space<vmem>>, vector<8x64xf32>
    %reshape3A_104 = vector.shape_cast %max3A_100 : vector<64x128x512xf32> to vector<64x65536xf32>
    %dot_general3A_105 = arith.constant dense<0.000000e+00> : vector<8x65536xf32>
    %dot_general3A_106 = tpu.matmul %get3A_103, %reshape3A_104, %dot_general3A_105 {dimension_numbers = #tpu.dot_dimension_numbers<[1], [0], [0], [1], [0, 0, 1, 1], [], []>, transpose_lhs_hint = false} : vector<8x64xf32>, vector<64x65536xf32>, vector<8x65536xf32> -> vector<8x65536xf32>
    %reshape3A_107 = vector.shape_cast %dot_general3A_106 : vector<8x65536xf32> to vector<8x128x512xf32>
    %reshape3A_108 = vector.shape_cast %gt3A_42 : vector<128x1xi1> to vector<1x128x1xi1>
    %reshape3A_109 = vector.shape_cast %not3A_34 : vector<1x512xi1> to vector<1x1x512xi1>
    %and3A = vector.broadcast %reshape3A_108 : vector<1x128x1xi1> to vector<1x128x512xi1>
    %and3A_110 = vector.broadcast %reshape3A_109 : vector<1x1x512xi1> to vector<1x128x512xi1>
    %and3A_111 = arith.andi %and3A, %and3A_110 : vector<1x128x512xi1>
    %convert_element_type3A = arith.extui %and3A_111 : vector<1x128x512xi1> to vector<1x128x512xi32>
    %convert_element_type3A_112 = arith.sitofp %convert_element_type3A : vector<1x128x512xi32> to vector<1x128x512xf32>
    %mul3A_113 = vector.broadcast %convert_element_type3A_112 : vector<1x128x512xf32> to vector<8x128x512xf32>
    %mul3A_114 = arith.mulf %reshape3A_107, %mul3A_113 : vector<8x128x512xf32>
    %reshape3A_115 = vector.shape_cast %mul3A_114 : vector<8x128x512xf32> to vector<8x65536xf32>
    %swap3A_116 = arith.constant 0 : index
    %swap3A_117 = arith.constant 0 : index
    %swap3A_118 = vector.load %arg16[%swap3A_116, %swap3A_117] : memref<8x65536xf32, #tpu.memory_space<vmem>>, vector<8x65536xf32>
    tpu.vector_store %arg16[%swap3A_116, %swap3A_117], %reshape3A_115 {strides = array<i32>} : memref<8x65536xf32, #tpu.memory_space<vmem>>, vector<8x65536xf32>,
    return
  }
  func.func @transform_0(%arg0: i32) -> (i32, i32) {
    %c0_i32 = arith.constant 0 : i32
    %c0_i32_0 = arith.constant 0 : i32
    %c0_i32_1 = arith.constant 0 : i32
    return %c0_i32, %c0_i32_0 : i32, i32
  }
  func.func @transform_1(%arg0: i32) -> (i32, i32) {
    %c0_i32 = arith.constant 0 : i32
    %c0_i32_0 = arith.constant 0 : i32
    return %c0_i32, %arg0 : i32, i32
  }
  func.func @transform_2(%arg0: i32) -> (i32, i32) {
    %c0_i32 = arith.constant 0 : i32
    %c0_i32_0 = arith.constant 0 : i32
    return %arg0, %c0_i32 : i32, i32
  }
  func.func @transform_3(%arg0: i32) -> (i32, i32) {
    %c0_i32 = arith.constant 0 : i32
    %c0_i32_0 = arith.constant 0 : i32
    %c0_i32_1 = arith.constant 0 : i32
    return %c0_i32, %c0_i32_0 : i32, i32
  }
  func.func @transform_4(%arg0: i32) -> (i32, i32) {
    %c0_i32 = arith.constant 0 : i32
    %c0_i32_0 = arith.constant 0 : i32
    return %c0_i32, %arg0 : i32, i32
  }
  func.func @transform_5(%arg0: i32) -> (i32, i32) {
    %c0_i32 = arith.constant 0 : i32
    %c0_i32_0 = arith.constant 0 : i32
    return %arg0, %c0_i32 : i32, i32
  }
  func.func @transform_6(%arg0: i32) -> (i32, i32) {
    %c0_i32 = arith.constant 0 : i32
    %c0_i32_0 = arith.constant 0 : i32
    %c0_i32_1 = arith.constant 0 : i32
    return %c0_i32, %c0_i32_0 : i32, i32
  }
  func.func @transform_7(%arg0: i32) -> (i32, i32) {
    %c0_i32 = arith.constant 0 : i32
    %c0_i32_0 = arith.constant 0 : i32
    %c0_i32_1 = arith.constant 0 : i32
    return %c0_i32, %c0_i32_0 : i32, i32
  }
  func.func @transform_8(%arg0: i32) -> (i32, i32) {
    %c0_i32 = arith.constant 0 : i32
    %c0_i32_0 = arith.constant 0 : i32
    %c0_i32_1 = arith.constant 0 : i32
    return %c0_i32, %c0_i32_0 : i32, i32
  }
  func.func @transform_9(%arg0: i32) -> (i32, i32) {
    %c0_i32 = arith.constant 0 : i32
    %c0_i32_0 = arith.constant 0 : i32
    %c0_i32_1 = arith.constant 0 : i32
    return %c0_i32, %c0_i32_0 : i32, i32
  }
  func.func @transform_10(%arg0: i32) -> (i32, i32) {
    %c0_i32 = arith.constant 0 : i32
    %c0_i32_0 = arith.constant 0 : i32
    %c0_i32_1 = arith.constant 0 : i32
    return %c0_i32, %c0_i32_0 : i32, i32
  }
  func.func @transform_11(%arg0: i32) -> (i32, i32) {
    %c0_i32 = arith.constant 0 : i32
    %c0_i32_0 = arith.constant 0 : i32
    %c0_i32_1 = arith.constant 0 : i32
    return %c0_i32, %c0_i32_0 : i32, i32
  }
  func.func @transform_12(%arg0: i32) -> (i32, i32) {
    %c0_i32 = arith.constant 0 : i32
    %c0_i32_0 = arith.constant 0 : i32
    %c0_i32_1 = arith.constant 0 : i32
    return %c0_i32, %c0_i32_0 : i32, i32
  }
  func.func @transform_13(%arg0: i32) -> (i32, i32) {
    %c0_i32 = arith.constant 0 : i32
    %c0_i32_0 = arith.constant 0 : i32
    %c0_i32_1 = arith.constant 0 : i32
    return %c0_i32, %c0_i32_0 : i32, i32
  }
  func.func @transform_14(%arg0: i32) -> (i32, i32) {
    %c0_i32 = arith.constant 0 : i32
    %c0_i32_0 = arith.constant 0 : i32
    %c0_i32_1 = arith.constant 0 : i32
    return %c0_i32, %c0_i32_0 : i32, i32
  }
  func.func @transform_15(%arg0: i32) -> (i32, i32) {
    %c0_i32 = arith.constant 0 : i32
    %c0_i32_0 = arith.constant 0 : i32
    return %c0_i32, %arg0 : i32, i32
  }
}

</mosaic_0001>

<sc_bundles>
// kernel: kernel.8.cloned.1.call-start
scs
__scs_entry_jumppad:
0x0: {  	(pc) =	sbr.rel $0x88, $3  }
0x1: {  	(tag) =	ssettag $0x0;
	lr =	simm.s32 $0x1  }
0x2: {  	[smem:$0x3F97] =	sst lr;
	_ =	strace $0xD0000000  }
0x3: {  	_ = 	snop  }
0x4: {  	_ = 	snop  }
0x5: {  	_ = 	snop  }
0x6: {  	_ = 	snop  }
0x7: {  	_ = 	snop  }
__scs_overlays_trampoline_lowered:
0x8: {  	[smem:$0x3FA6] =	sst s0  }
0x9: {  	[smem:$0x3FA7] =	sst s1  }
0xa: {  	[smem:$0x3FA8] =	sst s2  }
0xb: {  	[smem:$0x3FA9] =	sst s3  }
0xc: {  	[smem:$0x3FAA] =	sst s4  }
0xd: {  	[smem:$0x3FAB] =	sst s5  }
0xe: {  	[smem:$0x3FAC] =	sst s6  }
0xf: {  	[smem:$0x3FAD] =	sst s7  }
0x10: {  	[smem:$0x3FAE] =	sst s8  }
0x11: {  	[smem:$0x3FAF] =	sst s9;
	s0 =	simm.s32 @!p0 $0x0  }
0x12: {  	s1 =	sld [smem:$0x3F95];
	s0 =	simm.s32 @p0 $0x1  }
0x13: {  	[smem:$0x3FB0] =	sst s0;
	s0 =	simm.s32 @!p1 $0x0  }
0x14: {  	s2 =	sld [smem:$0x3F94];
	s0 =	simm.s32 @p1 $0x1  }
0x15: {  	[smem:$0x3FB1] =	sst s0;
	s0 =	simm.s32 @!p2 $0x0  }
0x16: {  	s3 =	sld [smem:$0x3FDB];
	s0 =	simm.s32 @p2 $0x1  }
0x17: {  	s4 =	simm.s32 $0x1BF5;
	[smem:$0x3FB3] =	sst s0  }
0x18: {  	s0 =	sld [smem:$0x3F96];
	_ =	swait.ge [sflag:s4], $0x0  }
0x19: {  	s7 =	sld [smem:$0x3F97]  }
0x1a: {  	s8 =	sadd.s32 $0xFFFFE003, lr  }
0x1b: {  	s9 =	sadd.s32 $0xFFFFFEF7, lr;
	s5 =	simm.s32 $0xFFFFFFFF;
	p2 =	slt.u32 s8, $0xFFFFF086  }
0x1c: {  	p1 =	slt.u32 s9, $0xF7A;
	s5 =	simm.s32 @!p2 $0x0  }
0x1d: {  	s5 =	simm.s32 @p1 $0x1;
	p0 =	seq.s32 s7, s2  }
0x1e: {  	s7 =	smul.u32 @!p0 $0xF7A, s2;
	p2 =	seq.s32 @!p0 s5, $0x0  }
0x1f: {  	s9 =	smul.u32 $0xF7A, s1;
	s8 =	simm.s32 @!p0 $0x1BF5;
	p2 =	por !p2, p0  }
0x20: {  	[sflag:s8] =	ssyncset.s32 @!p0 $0xFFFFF086;
	s6 =	sadd.s32 @!p0 s3, s7;
	s7 =	simm.s32 @!p0 $0x108  }
0x21: {  	s3 =	sadd.s32 s3, s9;
	s6 =	sadd.s32 @!p0 $0x88, s6;
	s7 =	simm.s32 @p2 $0x1082  }
0x22: {  	[simem:s7], [sflag:s8] =	dma.local @!p0 [hbm:s6], $0xF7A  }
0x23: {  	s9 =	sor.u32 $0xD0000000, s2;
	s6 =	simm.s32 $0x108;
	_ =	swait.ge @!p0 [sflag:s8], $0x0  }
0x24: {  	s3 =	sadd.s32 $0x88, s3;
	s6 =	simm.s32 @!p1 $0x1082;
	[sflag:s4] =	ssyncset.s32 $0xFFFFF086  }
0x25: {  	[simem:s6], [sflag:s4] =	dma.local [hbm:s3], $0xF7A  }
0x26: {  	[smem:$0x3F97] =	sst s1;
	(tag) =	ssettag s2;
	_ =	strace s9  }
0x27: {  	s1 =	sld [smem:$0x3FA7]  }
0x28: {  	s2 =	sld [smem:$0x3FA8]  }
0x29: {  	s4 =	sld [smem:$0x3FAA]  }
0x2a: {  	p0 =	seq.s32 s5, $0x0;
	s5 =	sld [smem:$0x3FAB]  }
0x2b: {  	s6 =	sld [smem:$0x3FAC]  }
0x2c: {  	s7 =	sld [smem:$0x3FAD]  }
0x2d: {  	s3 =	simm.s32 $0x108;
	s8 =	sld [smem:$0x3FAE]  }
0x2e: {  	s3 =	simm.s32 @!p0 $0x1082;
	s9 =	sld [smem:$0x3FAF]  }
0x2f: {  	lr =	sadd.s32 s0, s3;
	s0 =	sld [smem:$0x3FA6]  }
0x30: {  	s3 =	sld [smem:$0x3FA9]  }
0x31: {  	[smem:$0x3FB2] =	sst s10  }
0x32: {  	s10 =	sld [smem:$0x3FB0];
	_ =	sdelay $0x3  }
0x33: {  	p0 =	seq.s32 s10, $0x1;
	s10 =	sld [smem:$0x3FB2];
	_ =	sdelay $0x3  }
0x34: {  	[smem:$0x3FB2] =	sst s10  }
0x35: {  	s10 =	sld [smem:$0x3FB1];
	_ =	sdelay $0x3  }
0x36: {  	p1 =	seq.s32 s10, $0x1;
	s10 =	sld [smem:$0x3FB2];
	_ =	sdelay $0x3  }
0x37: {  	[smem:$0x3FB2] =	sst s10  }
0x38: {  	s10 =	sld [smem:$0x3FB3]  }
0x39: {  	_ = 	snop;
	(pc) =	sbr.ind lr, $3  }
0x3a: {  	_ = 	snop  }
0x3b: {  	_ = 	snop  }
0x3c: {  	p2 =	seq.s32 s10, $0x1;
	s10 =	sld [smem:$0x3FB2]  }
0x3d: {  	_ =	shalt  }
0x3e: {  	_ =	shalt  }
0x3f: {  	_ =	shalt  }
0x40: {  	_ =	shalt  }
0x41: {  	_ =	shalt  }
0x42: {  	_ =	shalt  }
0x43: {  	_ =	shalt  }
0x44: {  	_ =	shalt  }
0x45: {  	_ =	shalt  }
0x46: {  	_ =	shalt  }
0x47: {  	_ =	shalt  }
0x48: {  	_ =	shalt  }
0x49: {  	_ =	shalt  }
0x4a: {  	_ =	shalt  }
0x4b: {  	_ =	shalt  }
0x4c: {  	_ =	shalt  }
0x4d: {  	_ =	shalt  }
0x4e: {  	_ =	shalt  }
0x4f: {  	_ =	shalt  }
0x50: {  	_ =	shalt  }
0x51: {  	_ =	shalt  }
0x52: {  	_ =	shalt  }
0x53: {  	_ =	shalt  }
0x54: {  	_ =	shalt  }
0x55: {  	_ =	shalt  }
0x56: {  	_ =	shalt  }
0x57: {  	_ =	shalt  }
0x58: {  	_ =	shalt  }
0x59: {  	_ =	shalt  }
0x5a: {  	_ =	shalt  }
0x5b: {  	_ =	shalt  }
0x5c: {  	_ =	shalt  }
0x5d: {  	_ =	shalt  }
0x5e: {  	_ =	shalt  }
0x5f: {  	_ =	shalt  }
0x60: {  	_ =	shalt  }
0x61: {  	_ =	shalt  }
0x62: {  	_ =	shalt  }
0x63: {  	_ =	shalt  }
0x64: {  	_ =	shalt  }
0x65: {  	_ =	shalt  }
0x66: {  	_ =	shalt  }
0x67: {  	_ =	shalt  }
0x68: {  	_ =	shalt  }
0x69: {  	_ =	shalt  }
0x6a: {  	_ =	shalt  }
0x6b: {  	_ =	shalt  }
0x6c: {  	_ =	shalt  }
0x6d: {  	_ =	shalt  }
0x6e: {  	_ =	shalt  }
0x6f: {  	_ =	shalt  }
0x70: {  	_ =	shalt  }
0x71: {  	_ =	shalt  }
0x72: {  	_ =	shalt  }
0x73: {  	_ =	shalt  }
0x74: {  	_ =	shalt  }
0x75: {  	_ =	shalt  }
0x76: {  	_ =	shalt  }
0x77: {  	_ =	shalt  }
0x78: {  	_ =	shalt  }
0x79: {  	_ =	shalt  }
0x7a: {  	_ =	shalt  }
0x7b: {  	_ =	shalt  }
0x7c: {  	_ =	shalt  }
0x7d: {  	_ =	shalt  }
0x7e: {  	_ =	shalt  }
0x7f: {  	_ =	shalt  }
0x80: {  	_ =	shalt  }
0x81: {  	_ =	shalt  }
0x82: {  	_ =	shalt  }
0x83: {  	_ =	shalt  }
0x84: {  	_ =	shalt  }
0x85: {  	_ =	shalt  }
0x86: {  	_ =	shalt  }
0x87: {  	_ =	shalt  }
.Lfunc_end0:
.L_simem_size_0:
called_computation_lowered:
.L_overlay_start_0:
0x88: {  	s2 =	sld [smem:$0x3FD9]  }
0x89: {  	s3 =	sld [smem:$0x3FFE];
	_ =	sdelay $0x1  }
0x8a: {  	s1 =	srdreg.scid  }
0x8b: {  	s0 =	sand.u32 $0x1, s1  }
0x8c: {  	s14 =	sshll.u32 s0, $0xA;
	s2 =	sadd.s32 s3, s2  }
0x8d: {  	s2 =	sadd.s32 s2, s14  }
0x8e: {  	[smem:$0x3FBE] =	sst s2  }
0x8f: {  	_ = 	snop  }
0x90: {  	s2 =	sld [smem:$0x3FD0];
	_ =	sdelay $0x2  }
0x91: {  	s15 =	simm.s32 $0xA;
	s4 =	simm.s32 $0x10  }
0x92: {  	[smem:s4], [sflag:s15] =	dma.local [hbm:s2], $0x1  }
0x93: {  	_ =	swait.eq [sflag:s15], $0x1  }
0x94: {  	[sflag:s15] =	ssyncset.done $0x0  }
0x95: {  	[sflag:s15] =	ssyncadd.s32 $0xFFFFFFFF  }
0x96: {  	s16 =	sld [smem:$0x11];
	(tm) =	ssettm $0x1  }
0x97: {  	s17 =	sld [smem:$0x3FFB];
	_ =	sdelay $0x3  }
0x98: {  	_ =	strace s17  }
0x99: {  	s3 =	sld [smem:$0x3FFC];
	_ =	sdelay $0x3  }
0x9a: {  	_ =	strace s3  }
0x9b: {  	s3 =	sld [smem:$0x3FFD];
	_ =	sdelay $0x3  }
0x9c: {  	_ =	strace s3  }
0x9d: {  	_ =	strace $0x8FFFFFFF  }
0x9e: {  	s18 =	sld [smem:$0x3FDB];
	_ =	sdelay $0x1  }
0x9f: {  	s19 =	simm.s32 $_scs_section_size  }
0xa0: {  	s5 =	simm.s32 $_size__tile_overlayer_lowered;
	s6 =	simm.s32 $_tile_overlayer_lowered  }
0xa1: {  	s22 =	simm.s32 $0x1BFF;
	s21 =	sshll.u32 s6, $0x1;
	s3 =	sadd.s32 s19, s18  }
0xa2: {  	s7 =	simm.s32 $0x0;
	s20 =	sshll.u32 s5, $0x1;
	s5 =	sadd.s32 s21, s3  }
0xa3: {  	[timem:s7], [sflag:s22] =	dma.local [hbm:s5], s20  }
0xa4: {  	_ =	swait.ge [sflag:s22], s20  }
0xa5: {  	s4 =	ssub.s32 $0x0, s20;
	[sflag:s22] =	ssyncset.done $0x0  }
0xa6: {  	[sflag:s22] =	ssyncadd.s32 s4;
	_ =	sdelay $0x1  }
0xa7: {  	s23 =	simm.s32 $0x1B8B  }
0xa8: {  	_ =	swait.ge [sflag:s23], $0x1  }
0xa9: {  	[sflag:s23] =	ssyncset.done $0x0  }
0xaa: {  	s25 =	simm.s32 $0x1B8E;
	s24 =	sld [smem:$0x3FFE];
	[sflag:s23] =	ssyncadd.s32 $0xFFFFFFFF  }
0xab: {  	s26 =	simm.s32 $execute0_lowered;
	[smem:$0x3FD2] =	sst s25  }
0xac: {  	s5 =	sshll.u32 s26, $0x1;
	_ =	strace $0x80000046;
	[dreg:$0x1] =	wrdreg $0xFFFFFFFF  }
0xad: {  	s28 =	simm.s32 $_size_execute0_lowered;
	s3 =	sadd.s32 s3, s5;
	[dreg:$0x0] =	wrdreg $0x0  }
0xae: {  	s5 =	sshll.u32 s28, $0x1;
	[dreg:$0x2] =	wrdreg s3  }
0xaf: {  	[dreg:$0x3] =	wrdreg s5  }
0xb0: {  	[dreg:$0x4] =	wrdreg $0xC0  }
0xb1: {  	_ =	task [dreg:s7], $0x5FFFF  }
0xb2: {  	[dreg:$0x1] =	wrdreg $0xFFFFFFFF  }
0xb3: {  	[dreg:$0x0] =	wrdreg $0x60  }
0xb4: {  	[dreg:$0x2] =	wrdreg s16  }
0xb5: {  	[dreg:$0x3] =	wrdreg s24  }
0xb6: {  	[dreg:$0x4] =	wrdreg $0x9  }
0xb7: {  	_ =	task.clear_ibuf [dreg:s7], $0x5FFFF;
	_ =	strace $0x90000046  }
0xb8: {  	s29 =	simm.s32 $0x9;
	_ =	strace $0x80000048  }
0xb9: {  	_ =	swait.ge [sflag:s29], $0x1  }
0xba: {  	[sflag:s29] =	ssyncadd.s32 $0xFFFFFFFF  }
0xbb: {  	_ =	strace $0x90000048  }
0xbc: {  	_ =	sfence  }
0xbd: {  	s30 =	sld [smem:$0x0];
	_ =	sdelay $0x2  }
0xbe: {  	s31 =	sshll.u32 s1, $0xD;
	s1 =	sshrl.u32 s1, $0x2  }
0xbf: {  	s3 =	sand.u32 $0x4000, s31;
	s1 =	sadd.s32 s1, s30  }
0xc0: {  	s0 =	sor.u32 s3, s0;
	s1 =	sshll.u32 s1, $0x11  }
0xc1: {  	s0 =	sor.u32 s1, s0  }
0xc2: {  	s0 =	sadd.s32 $0x8F2B, s0  }
0xc3: {  	[sflag:s0] =	ssyncadd.remote.s32 $0x1  }
0xc4: {  	_ =	sfence.sel $0xFFFF  }
0xc5: {  	[dreg:$0x0] =	wrdreg $0xFFFFFFFF;
	(pc) =	sbr.abs _section_cstart, $3  }
0xc6: {  	[dreg:$0x1] =	wrdreg $0xFFFFFFFF  }
0xc7: {  	_ =	task.clear_ibuf [dreg:s7], $0x2FFFF;
	_ =	strace $0x9FFFFFFF  }
0xc8: {  	(tm) =	ssettm $0x7FFFFFFF  }
0xc9: {  	_ =	shalt  }
tec
execute0_lowered:
.L_overlay_start_1:
0x0: {  	(tag) =	ssettag $0x1  }
0x1: {  	s0 =	rddreg [dreg:$0x0];
	s1 =	srdreg.scid  }
0x2: {  	s6 =	stileid.u32;
	s3 =	rddreg [dreg:$0x1]  }
0x3: {  	s2 =	simm.s32 $0x0;
	s28 =	simm.s32 $0xA180;
	s29 =	simm.s32 $0xC280  }
0x4: {  	s30 =	simm.s32 $0xE380;
	s31 =	simm.s32 $0x10480;
	s1 =	sand.u32 $0x1, s1  }
0x5: {  	s4 =	sshll.u32 s6, $0x1;
	[smem:$0x7FF] =	sst s2;
	s6 =	sshrl.u32 s6, $0x2  }
0x6: {  	s4 =	sor.u32 s1, s4;
	_ =	strace $0x80000047;
	s1 =	ssub.s32 $0x2, s1  }
0x7: {  	s5 =	smul.u32 $0x188, s4;
	s8 =	sshrl.u32 s1, $0x1;
	s4 =	sshll.u32 s4, $0x7  }
0x8: {  	s6 =	smul.u32 $0x10800, s6;
	s1 =	ssub.s32 s1, s8;
	s4 =	sand.u32 $0x380, s4  }
0x9: {  	s7 =	sadd.s32 s5, s3;
	s3 =	sadd.s32 $0xCC00, s3;
	s0 =	sadd.s32 s0, s5  }
0xa: {  	s18 =	sor.u32 s6, s4;
	s17 =	sadd.s32 $0x9A00, s7;
	[dreg:$0x4] =	wrdreg s0  }
0xb: {  	s19 =	sadd.s32 $0x400, s7;
	s6 =	sadd.s32 $0x3600, s7;
	s20 =	sshrl.u32 s18, $0x3  }
0xc: {  	s7 =	sadd.s32 $0x6800, s7;
	s21 =	sadd.s32 $0x42000, s18;
	s10 =	sadd.s32 $0x84000, s18  }
0xd: {  	s11 =	sadd.s32 $0xC6000, s18;
	s23 =	sadd.s32 $0x108000, s18;
	s13 =	sadd.s32 $0x14A000, s18  }
0xe: {  	s14 =	sadd.s32 $0x18C000, s18;
	s25 =	sadd.s32 $0x1CE000, s18;
	s16 =	sadd.s32 $0x210000, s18  }
0xf: {  	s0 =	sadd.s32 $0x252000, s18;
	s18 =	smax.u32 s1, $0x1;
	[dreg:$0x3] =	wrdreg s17  }
0x10: {  	s1 =	simm.s32 $0x12580;
	[dreg:$0x5] =	wrdreg s19;
	s8 =	sadd.s32 s3, s20  }
0x11: {  	s4 =	sshrl.u32 s21, $0x3;
	s22 =	sshrl.u32 s10, $0x3;
	s11 =	sshrl.u32 s11, $0x3  }
0x12: {  	s24 =	sshrl.u32 s13, $0x3;
	s14 =	sshrl.u32 s14, $0x3;
	s26 =	sshrl.u32 s16, $0x3  }
0x13: {  	s0 =	sshrl.u32 s0, $0x3;
	s19 =	simm.s32 $0x1;
	s20 =	simm.s32 $0x16780  }
0x14: {  	s21 =	simm.s32 $0x80;
	s9 =	sadd.s32 s3, s4;
	s10 =	sadd.s32 s3, s22  }
0x15: {  	s11 =	sadd.s32 s3, s11;
	s4 =	sshrl.u32 s23, $0x3;
	s13 =	sadd.s32 s3, s24  }
0x16: {  	s14 =	sadd.s32 s3, s14;
	s16 =	sadd.s32 s3, s26;
	s17 =	sadd.s32 s3, s0  }
0x17: {  	s24 =	simm.s32 $0x3E80;
	s26 =	simm.s32 $0x8080;
	s0 =	simm.s32 $0x14680  }
0x18: {  	v0 =	vimm.f32 $0.0e+00;
	v1 =	vimm.f32 $-Inf;
	v3 =	vlaneseq.u32;
	s22 =	simm.s32 $0x400;
	s12 =	sadd.s32 s3, s4;
	s4 =	sshrl.u32 s25, $0x3  }
0x19: {  	v2 =	vimm.f32 $+Inf;
	v4 =	vimm.f32 $1.000000000e+00;
	v3 =	vmul.u32 $0x210, v3;
	s23 =	simm.s32 $0x0;
	s25 =	simm.s32 $0x5F80;
	s15 =	sadd.s32 s3, s4  }
.LBB2_1:
0x1a: {  	s3 =	rddreg [dreg:$0x3]  }
0x1b: {  	[tilespmem:s2], [sflag:$0x1] =	stream.linear.gather [hbm4b:s3+s2], $0xC40, $0x38;
	[tilespmem:$0x18880] =	vst v63  }
0x1c: {  	_ =	swait.ge [sflag:s19], $0xC40  }
0x1d: {  	[sflag:s19] =	ssyncset.done $0x0  }
0x1e: {  	s4 =	simm.s32 $0xC80;
	s5 =	rddreg [dreg:$0x4];
	[sflag:s19] =	ssyncadd.s32 $0xFFFFF3C0  }
0x1f: {  	[tilespmem:s4], [sflag:$0x1] =	stream.linear.gather [hbm4b:s5+s2], $0xC40, $0x38;
	[tilespmem:$0x18880] =	vst v63  }
0x20: {  	_ =	swait.ge [sflag:s19], $0xC40  }
0x21: {  	[sflag:s19] =	ssyncset.done $0x0  }
0x22: {  	s5 =	simm.s32 $0x1900;
	s4 =	rddreg [dreg:$0x5];
	[sflag:s19] =	ssyncadd.s32 $0xFFFFF3C0  }
0x23: {  	[tilespmem:s5], [sflag:$0x1] =	stream.linear.gather [hbm4b:s4+s2], $0xC40, $0x38;
	[tilespmem:$0x18880] =	vst v63  }
0x24: {  	_ =	swait.ge [sflag:s19], $0xC40  }
0x25: {  	[sflag:s19] =	ssyncset.done $0x0  }
0x26: {  	s4 =	simm.s32 $0x2580;
	[sflag:s19] =	ssyncadd.s32 $0xFFFFF3C0  }
0x27: {  	[tilespmem:s4], [sflag:$0x1] =	stream.linear.gather [hbm4b:s6+s2], $0xC40, $0x38;
	[tilespmem:$0x18880] =	vst v63  }
0x28: {  	_ =	swait.ge [sflag:s19], $0xC40  }
0x29: {  	[sflag:s19] =	ssyncset.done $0x0  }
0x2a: {  	s5 =	simm.s32 $0x3200;
	[sflag:s19] =	ssyncadd.s32 $0xFFFFF3C0  }
0x2b: {  	[tilespmem:s5], [sflag:$0x1] =	stream.linear.gather [hbm4b:s7+s2], $0xC40, $0x38;
	[tilespmem:$0x18880] =	vst v63  }
0x2c: {  	_ =	swait.ge [sflag:s19], $0xC40  }
0x2d: {  	[sflag:s19] =	ssyncset.done $0x0  }
0x2e: {  	s3 =	simm.s32 $0x0;
	s4 =	simm.s32 $0x40;
	[sflag:s19] =	ssyncadd.s32 $0xFFFFF3C0  }
.LBB2_2:
0x2f: {  	p0 =	sne.s32 s4, $0x83C0;
	[tilespmem:s3+$0x16780] =	vst v2  }
0x30: {  	[tilespmem:s3+$0x3E80] =	vst v0  }
0x31: {  	[tilespmem:s3+$0x5F80] =	vst v0  }
0x32: {  	[tilespmem:s3+$0x8080] =	vst v0  }
0x33: {  	[tilespmem:s3+$0xA180] =	vst v0  }
.Ltmp0:
0x34: {  	[tilespmem:s3+$0xC280] =	vst v0;
	(pc) =	sbr.rel @p0 .LBB2_2-.Ltmp0, $4  }
0x35: {  	[tilespmem:s3+$0xE380] =	vst v0  }
0x36: {  	[tilespmem:s3+$0x10480] =	vst v0  }
0x37: {  	[tilespmem:s3+$0x12580] =	vst v0  }
0x38: {  	[tilespmem:s3+$0x14680] =	vst v1;
	s3 =	sshra.s32 s4, $0x2;
	s4 =	sadd.s32 $0x40, s4  }
0x39: {  	[tilespmem:s3+$0x16780] =	vst v2  }
0x3a: {  	[tilespmem:s3+$0x3E80] =	vst v0  }
0x3b: {  	[tilespmem:s3+$0x5F80] =	vst v0  }
0x3c: {  	[tilespmem:s3+$0x8080] =	vst v0  }
0x3d: {  	[tilespmem:s3+$0xA180] =	vst v0  }
0x3e: {  	[tilespmem:s3+$0xC280] =	vst v0  }
0x3f: {  	[tilespmem:s3+$0xE380] =	vst v0  }
0x40: {  	[tilespmem:s3+$0x10480] =	vst v0  }
0x41: {  	[tilespmem:s3+$0x12580] =	vst v0  }
0x42: {  	[tilespmem:s3+$0x14680] =	vst v1;
	s5 =	simm.s32 $0x0  }
0x43: {  	v5 =	vld [tilespmem:s5+$0x0];
	_ =	sdelay $0x4  }
0x44: {  	v5 =	vadd.s32 v3, v5  }
0x45: {  	v6 =	vld [tilespmem:s5+$0xC80]  }
0x46: {  	v7 =	vld [tilespmem:s5+$0x1900]  }
0x47: {  	v8 =	vld [tilespmem:s5+$0x2580]  }
0x48: {  	v9 =	vld [tilespmem:s5+$0x3200]  }
0x49: {  	[tilespmem:v5+s24+$0x0] =	vst.idx.add.f32.msk $0xffff, v4  }
0x4a: {  	[tilespmem:v5+s25+$0x0] =	vst.idx.add.f32.msk $0xffff, v6  }
0x4b: {  	v6 =	vmul.f32 v6, v6;
	[tilespmem:v5+s26+$0x0] =	vst.idx.add.f32.msk $0xffff, v7  }
0x4c: {  	v7 =	vmul.f32 v7, v7;
	[tilespmem:v5+s28+$0x0] =	vst.idx.add.f32.msk $0xffff, v8  }
0x4d: {  	[tilespmem:v5+s29+$0x0] =	vst.idx.add.f32.msk $0xffff, v6;
	v6 =	vmul.f32 v8, v8  }
0x4e: {  	[tilespmem:v5+s30+$0x0] =	vst.idx.add.f32.msk $0xffff, v7  }
0x4f: {  	[tilespmem:v5+s31+$0x0] =	vst.idx.add.f32.msk $0xffff, v6  }
0x50: {  	[tilespmem:v5+s1+$0x0] =	vst.idx.add.f32.msk $0xffff, v9  }
0x51: {  	v6 =	vld.idx.msk [tilespmem:v5+s0+$0x0], $0xffff;
	_ =	sdelay $0x4  }
0x52: {  	v6 =	vmax.f32 v6, v9  }
0x53: {  	[tilespmem:v5+s0+$0x0] =	vst.idx.msk $0xffff, v6  }
0x54: {  	v6 =	vld.idx.msk [tilespmem:v5+s20+$0x0], $0xffff;
	_ =	sdelay $0x4  }
0x55: {  	s3 =	simm.s32 $0x40;
	s4 =	simm.s32 $0x80;
	v6 =	vmin.f32 v6, v9  }
.LBB2_4:
0x56: {  	p0 =	sne.s32 s4, $0x30C0  }
0x57: {  	s5 =	sshra.s32 s3, $0x2;
	[tilespmem:v5+s20+$0x0] =	vst.idx.msk $0xffff, v6;
	s3 =	smov.u32 s4;
	s4 =	sadd.s32 $0x40, s4  }
0x58: {  	v5 =	vld [tilespmem:s5+$0x0];
	_ =	sdelay $0x4  }
0x59: {  	v5 =	vadd.s32 v3, v5  }
0x5a: {  	v6 =	vld [tilespmem:s5+$0xC80]  }
0x5b: {  	v7 =	vld [tilespmem:s5+$0x1900]  }
0x5c: {  	v8 =	vld [tilespmem:s5+$0x2580]  }
0x5d: {  	v9 =	vld [tilespmem:s5+$0x3200]  }
0x5e: {  	[tilespmem:v5+s24+$0x0] =	vst.idx.add.f32.msk $0xffff, v4  }
0x5f: {  	[tilespmem:v5+s25+$0x0] =	vst.idx.add.f32.msk $0xffff, v6  }
0x60: {  	v6 =	vmul.f32 v6, v6;
	[tilespmem:v5+s26+$0x0] =	vst.idx.add.f32.msk $0xffff, v7  }
0x61: {  	v7 =	vmul.f32 v7, v7;
	[tilespmem:v5+s28+$0x0] =	vst.idx.add.f32.msk $0xffff, v8  }
0x62: {  	[tilespmem:v5+s29+$0x0] =	vst.idx.add.f32.msk $0xffff, v6;
	v6 =	vmul.f32 v8, v8  }
0x63: {  	[tilespmem:v5+s30+$0x0] =	vst.idx.add.f32.msk $0xffff, v7  }
0x64: {  	[tilespmem:v5+s31+$0x0] =	vst.idx.add.f32.msk $0xffff, v6  }
0x65: {  	[tilespmem:v5+s1+$0x0] =	vst.idx.add.f32.msk $0xffff, v9  }
0x66: {  	v6 =	vld.idx.msk [tilespmem:v5+s0+$0x0], $0xffff;
	_ =	sdelay $0x5  }
0x67: {  	v6 =	vmax.f32 v6, v9  }
0x68: {  	[tilespmem:v5+s0+$0x0] =	vst.idx.msk $0xffff, v6  }
0x69: {  	v6 =	vld.idx.msk [tilespmem:v5+s20+$0x0], $0xffff;
	_ =	sdelay $0x1  }
.Ltmp1:
0x6a: {  	(pc) =	sbr.rel @p0 .LBB2_4-.Ltmp1, $2  }
0x6b: {  	_ =	sdelay $0x2  }
0x6c: {  	v6 =	vmin.f32 v6, v9  }
0x6d: {  	_ =	sdelay $0x3  }
0x6e: {  	s3 =	sshra.s32 s3, $0x2;
	[tilespmem:v5+s20+$0x0] =	vst.idx.msk $0xffff, v6  }
0x6f: {  	v5 =	vld [tilespmem:s3+$0x0];
	_ =	sdelay $0x4  }
0x70: {  	v5 =	vadd.s32 v3, v5  }
0x71: {  	v6 =	vld [tilespmem:s3+$0xC80]  }
0x72: {  	v7 =	vld [tilespmem:s3+$0x1900]  }
0x73: {  	v8 =	vld [tilespmem:s3+$0x2580]  }
0x74: {  	v9 =	vld [tilespmem:s3+$0x3200]  }
0x75: {  	[tilespmem:v5+s24+$0x0] =	vst.idx.add.f32.msk $0xffff, v4  }
0x76: {  	[tilespmem:v5+s25+$0x0] =	vst.idx.add.f32.msk $0xffff, v6  }
0x77: {  	v6 =	vmul.f32 v6, v6;
	[tilespmem:v5+s26+$0x0] =	vst.idx.add.f32.msk $0xffff, v7  }
0x78: {  	v7 =	vmul.f32 v7, v7;
	[tilespmem:v5+s28+$0x0] =	vst.idx.add.f32.msk $0xffff, v8  }
0x79: {  	[tilespmem:v5+s29+$0x0] =	vst.idx.add.f32.msk $0xffff, v6;
	v6 =	vmul.f32 v8, v8  }
0x7a: {  	[tilespmem:v5+s30+$0x0] =	vst.idx.add.f32.msk $0xffff, v7  }
0x7b: {  	[tilespmem:v5+s31+$0x0] =	vst.idx.add.f32.msk $0xffff, v6  }
0x7c: {  	[tilespmem:v5+s1+$0x0] =	vst.idx.add.f32.msk $0xffff, v9  }
0x7d: {  	v6 =	vld.idx.msk [tilespmem:v5+s0+$0x0], $0xffff;
	_ =	sdelay $0x4  }
0x7e: {  	v6 =	vmax.f32 v6, v9  }
0x7f: {  	[tilespmem:v5+s0+$0x0] =	vst.idx.msk $0xffff, v6  }
0x80: {  	v6 =	vld.idx.msk [tilespmem:v5+s20+$0x0], $0xffff;
	_ =	sdelay $0x4  }
0x81: {  	v6 =	vmin.f32 v6, v9  }
0x82: {  	[tilespmem:v5+s20+$0x0] =	vst.idx.msk $0xffff, v6  }
0x83: {  	[hbm4b:s8+s21] =	stream.strided.scatter [tilespmem:s24], [sflag:$0x1], $0x2100, s22, s21, $0x38;
	[tilespmem:$0x18880] =	vst v63  }
0x84: {  	_ =	swait.ge [sflag:s19], $0x2100  }
0x85: {  	[sflag:s19] =	ssyncset.done $0x0  }
0x86: {  	[sflag:s19] =	ssyncadd.s32 $0xFFFFDF00  }
0x87: {  	[hbm4b:s9+s21] =	stream.strided.scatter [tilespmem:s25], [sflag:$0x1], $0x2100, s22, s21, $0x38;
	[tilespmem:$0x18880] =	vst v63  }
0x88: {  	_ =	swait.ge [sflag:s19], $0x2100  }
0x89: {  	[sflag:s19] =	ssyncset.done $0x0  }
0x8a: {  	[sflag:s19] =	ssyncadd.s32 $0xFFFFDF00  }
0x8b: {  	[hbm4b:s10+s21] =	stream.strided.scatter [tilespmem:s26], [sflag:$0x1], $0x2100, s22, s21, $0x38;
	[tilespmem:$0x18880] =	vst v63  }
0x8c: {  	_ =	swait.ge [sflag:s19], $0x2100  }
0x8d: {  	[sflag:s19] =	ssyncset.done $0x0  }
0x8e: {  	[sflag:s19] =	ssyncadd.s32 $0xFFFFDF00  }
0x8f: {  	[hbm4b:s11+s21] =	stream.strided.scatter [tilespmem:s28], [sflag:$0x1], $0x2100, s22, s21, $0x38;
	[tilespmem:$0x18880] =	vst v63  }
0x90: {  	_ =	swait.ge [sflag:s19], $0x2100  }
0x91: {  	[sflag:s19] =	ssyncset.done $0x0  }
0x92: {  	[sflag:s19] =	ssyncadd.s32 $0xFFFFDF00  }
0x93: {  	[hbm4b:s12+s21] =	stream.strided.scatter [tilespmem:s29], [sflag:$0x1], $0x2100, s22, s21, $0x38;
	[tilespmem:$0x18880] =	vst v63  }
0x94: {  	_ =	swait.ge [sflag:s19], $0x2100  }
0x95: {  	[sflag:s19] =	ssyncset.done $0x0  }
0x96: {  	[sflag:s19] =	ssyncadd.s32 $0xFFFFDF00  }
0x97: {  	[hbm4b:s13+s21] =	stream.strided.scatter [tilespmem:s30], [sflag:$0x1], $0x2100, s22, s21, $0x38;
	[tilespmem:$0x18880] =	vst v63  }
0x98: {  	_ =	swait.ge [sflag:s19], $0x2100  }
0x99: {  	[sflag:s19] =	ssyncset.done $0x0  }
0x9a: {  	[sflag:s19] =	ssyncadd.s32 $0xFFFFDF00  }
0x9b: {  	[hbm4b:s14+s21] =	stream.strided.scatter [tilespmem:s31], [sflag:$0x1], $0x2100, s22, s21, $0x38;
	[tilespmem:$0x18880] =	vst v63  }
0x9c: {  	_ =	swait.ge [sflag:s19], $0x2100  }
0x9d: {  	[sflag:s19] =	ssyncset.done $0x0  }
0x9e: {  	[sflag:s19] =	ssyncadd.s32 $0xFFFFDF00  }
0x9f: {  	[hbm4b:s15+s21] =	stream.strided.scatter [tilespmem:s1], [sflag:$0x1], $0x2100, s22, s21, $0x38;
	[tilespmem:$0x18880] =	vst v63  }
0xa0: {  	_ =	swait.ge [sflag:s19], $0x2100  }
0xa1: {  	[sflag:s19] =	ssyncset.done $0x0  }
0xa2: {  	[sflag:s19] =	ssyncadd.s32 $0xFFFFDF00  }
0xa3: {  	[hbm4b:s16+s21] =	stream.strided.scatter [tilespmem:s0], [sflag:$0x1], $0x2100, s22, s21, $0x38;
	[tilespmem:$0x18880] =	vst v63  }
0xa4: {  	s23 =	sadd.s32 $0x1, s23;
	_ =	swait.ge [sflag:s19], $0x2100  }
0xa5: {  	p0 =	sne.s32 s23, s18;
	[sflag:s19] =	ssyncset.done $0x0  }
.Ltmp2:
0xa6: {  	[sflag:s19] =	ssyncadd.s32 $0xFFFFDF00;
	(pc) =	sbr.rel @p0 .LBB2_1-.Ltmp2, $4  }
0xa7: {  	[hbm4b:s17+s21] =	stream.strided.scatter [tilespmem:s20], [sflag:$0x1], $0x2100, s22, s21, $0x38;
	[tilespmem:$0x18880] =	vst v63  }
0xa8: {  	_ =	swait.ge [sflag:s19], $0x2100  }
0xa9: {  	[sflag:s19] =	ssyncset.done $0x0  }
0xaa: {  	[sflag:s19] =	ssyncadd.s32 $0xFFFFDF00  }
0xab: {  	_ =	sfence.sel $0x180000  }
0xac: {  	[bflag:$0x0] =	sbarrier.arrive $0xFFFF  }
0xad: {  	_ =	strace $0x90000047  }
0xae: {  	s0 =	stileid.u32;
	[bflag:$0x2] =	sbarrier.arrive $0xFFFF  }
0xaf: {  	p0 =	sne.s32 s0, $0x0;
	s0 =	rddreg [dreg:$0x2]  }
0xb0: {  	s0 =	sadd.s32 @!p0 $0x100000, s0  }
0xb1: {  	[sflag:s0] =	ssyncadd.tile.s32 @!p0 $0x1;
	_ =	shalt  }
.Lfunc_end2:
_tile_overlayer_lowered:
.L_overlay_start_2:
0xb2: {  	(tag) =	ssettag $0x2  }
0xb3: {  	s0 =	rddreg [dreg:$0x0];
	s2 =	stileid.u32  }
0xb4: {  	s1 =	rddreg [dreg:$0x1];
	p0 =	sne.s32 s2, $0x0  }
0xb5: {  	s3 =	rddreg [dreg:$0x2];
	[bflag:$0x3] =	sbarrier.arrive $0xFFFF;
	s2 =	simm.s32 @!p0 $0x1C01  }
0xb6: {  	[timem:s3], [sflag:s2] =	dma.local @!p0 [hbm:s0], s1  }
0xb7: {  	s0 =	simm.s32 @!p0 $0x1  }
0xb8: {  	_ =	swait.ge @!p0 [sflag:s0], s1  }
0xb9: {  	s1 =	ssub.s32 @!p0 $0x0, s1;
	[sflag:s0] =	ssyncset.done @!p0 $0x0  }
0xba: {  	[sflag:s0] =	ssyncadd.s32 @!p0 s1  }
0xbb: {  	[bflag:$0x3] =	sbarrier.arrive $0xFFFF  }
0xbc: {  	_ =	shalt  }

</sc_bundles>
